<compile_context>
chip_gen: v7x
topology: tpu7x:2x2x1
jax: 0.10.2.dev20260603
libtpu: 0.0.44.dev20260713+nightly
codegen_flags: <defaults>
</compile_context>

<pallas_src>
import jax
import jax.numpy as jnp
from jax import lax
from jax.experimental import pallas as pl
from jax.experimental.pallas import tpu as pltpu
from jax.experimental.pallas import tpu_sc as plsc

SEQ_LEN = 200
BATCH = 4096
EMBEDDING_DIM = 32
NUM_IDX = SEQ_LEN * BATCH
NUM_WORKERS = 32
PER_WORKER = NUM_IDX // NUM_WORKERS
STREAM_W = 128
CHUNK = 256
NSTREAM = CHUNK // STREAM_W
NCHUNK = PER_WORKER // CHUNK
NBUF = 4


def _gather_rows(weight, idx_grp):
    mesh = plsc.VectorSubcoreMesh(core_axis_name="c", subcore_axis_name="s")

    @pl.kernel(
        out_type=jax.ShapeDtypeStruct(
            (NUM_WORKERS, NCHUNK, CHUNK, EMBEDDING_DIM), weight.dtype
        ),
        mesh=mesh,
        scratch_types=[
            pltpu.VMEM((NCHUNK, NSTREAM, STREAM_W), jnp.int32),
            pltpu.VMEM((NBUF, CHUNK, EMBEDDING_DIM), jnp.float32),
            pltpu.VMEM_SHARED((16, NBUF, CHUNK, EMBEDDING_DIM), jnp.float32),
        ]
        + [pltpu.SemaphoreType.DMA] * (3 * NBUF),
        compiler_params=pltpu.CompilerParams(use_tc_tiling_on_sc=False),
    )
    def gather_kernel(w_hbm, i_hbm, o_hbm, idx_v, rows_v, sp_rows, *sems):
        sid = lax.axis_index("s")
        wid = sid * 2 + lax.axis_index("c")
        gsems = sems[:NBUF]
        csems = sems[NBUF : 2 * NBUF]
        osems = sems[2 * NBUF :]

        pltpu.sync_copy(i_hbm.at[wid], idx_v)

        def fire(g, b):
            for j in range(NSTREAM):
                pltpu.async_copy(
                    w_hbm.at[idx_v.at[g, j]],
                    rows_v.at[b, pl.ds(j * STREAM_W, STREAM_W)],
                    gsems[b],
                )

        def drain(g, b):
            for j in range(NSTREAM):
                pltpu.make_async_copy(
                    w_hbm.at[idx_v.at[g, j]],
                    rows_v.at[b, pl.ds(j * STREAM_W, STREAM_W)],
                    gsems[b],
                ).wait()

        for b in range(NBUF):
            fire(b, b)

        def ring_body(p, carry):
            for b in range(NBUF):
                g = NBUF * p + b
                bp = (b - 1) % NBUF
                drain(g, b)

                @pl.when(g >= 1)
                def _():
                    pltpu.make_async_copy(
                        rows_v.at[bp], sp_rows.at[sid, bp], csems[bp]
                    ).wait()
                    pltpu.async_copy(
                        sp_rows.at[sid, bp], o_hbm.at[wid, g - 1], osems[bp]
                    )

                    @pl.when(g - 1 + NBUF < NCHUNK)
                    def _():
                        fire(g - 1 + NBUF, bp)

                @pl.when(g >= NBUF)
                def _():
                    pltpu.make_async_copy(
                        sp_rows.at[sid, b], o_hbm.at[wid, g - NBUF], osems[b]
                    ).wait()

                pltpu.async_copy(rows_v.at[b], sp_rows.at[sid, b], csems[b])

            return carry

        lax.fori_loop(0, NCHUNK // NBUF, ring_body, 0)

        bl = (NCHUNK - 1) % NBUF
        pltpu.make_async_copy(rows_v.at[bl], sp_rows.at[sid, bl], csems[bl]).wait()
        pltpu.async_copy(sp_rows.at[sid, bl], o_hbm.at[wid, NCHUNK - 1], osems[bl])
        for b in range(NBUF):
            pltpu.make_async_copy(
                sp_rows.at[sid, b], o_hbm.at[wid, NCHUNK - NBUF + b], osems[b]
            ).wait()

    return gather_kernel(weight, idx_grp)


def kernel(inputs, weight):
    idx_grp = inputs.reshape(NUM_WORKERS, NCHUNK, NSTREAM, STREAM_W)
    out = _gather_rows(weight, idx_grp)
    return out.reshape(SEQ_LEN, BATCH, EMBEDDING_DIM)

# --- scband reference (transcript-rebuilt; emitter-appended) ---
"""Pipeline reference for scband-embedding-16269336117663 (READ-ONLY COPY).

The authoritative reference and input builder live on the scoring server;
editing this copy changes nothing except your own understanding.
"""

import jax, jax.numpy as jnp
import numpy as np

NUM_EMBEDDINGS = 1000000
EMBEDDING_DIM = 32
PADDING_IDX = 0
SEQ_LEN = 200
BATCH = 4096

def setup_inputs(seed: int = 0) -> dict:
    key = jax.random.key(seed)
    k1, k2 = jax.random.split(key)
    inputs = jax.random.randint(k1, (SEQ_LEN, BATCH), 0, NUM_EMBEDDINGS, dtype=jnp.int64 if jax.config.jax_enable_x64 else jnp.int32)
    weight = jax.random.normal(k2, (NUM_EMBEDDINGS, EMBEDDING_DIM), dtype=jnp.float32)
    weight = weight.at[PADDING_IDX].set(0.0)
    return {"inputs": inputs, "weight": weight}

def reference(inputs, weight):
    # padding_mask: (num_embeddings, 1), False only at padding_idx
    padding_mask = (jnp.arange(0, NUM_EMBEDDINGS) != PADDING_IDX).reshape(-1, 1)
    w = weight * padding_mask
    embeddings = jnp.take(w, inputs, axis=0)
    return embeddings

if __name__ == "__main__":
    import jax
    _d = setup_inputs()
    print(jax.jit(kernel)(*tuple(_d.values())))

</pallas_src>

<mosaic_0001>
#map = affine_map<(d0, d1) -> (0, 0)>
#map1 = affine_map<(d0, d1) -> (0, 0, 0, 0)>
module attributes {stable_mosaic.version = 14 : i64} {
  func.func @gather_kernel(%arg0: i32, %arg1: i32, %arg2: memref<1000000x32xf32, #tpu.memory_space<hbm>>, %arg3: memref<32x100x2x128xi32, #tpu.memory_space<hbm>>, %arg4: memref<32x100x256x32xf32, #tpu.memory_space<hbm>>, %arg5: memref<100x2x128xi32, #tpu.memory_space<vmem>>, %arg6: memref<4x256x32xf32, #tpu.memory_space<vmem>>, %arg7: memref<16x4x256x32xf32, #tpu.memory_space<vmem_shared>>, %arg8: memref<!tpu.dma_semaphore, #tpu.memory_space<semaphore_mem>>, %arg9: memref<!tpu.dma_semaphore, #tpu.memory_space<semaphore_mem>>, %arg10: memref<!tpu.dma_semaphore, #tpu.memory_space<semaphore_mem>>, %arg11: memref<!tpu.dma_semaphore, #tpu.memory_space<semaphore_mem>>, %arg12: memref<!tpu.dma_semaphore, #tpu.memory_space<semaphore_mem>>, %arg13: memref<!tpu.dma_semaphore, #tpu.memory_space<semaphore_mem>>, %arg14: memref<!tpu.dma_semaphore, #tpu.memory_space<semaphore_mem>>, %arg15: memref<!tpu.dma_semaphore, #tpu.memory_space<semaphore_mem>>, %arg16: memref<!tpu.dma_semaphore, #tpu.memory_space<semaphore_mem>>, %arg17: memref<!tpu.dma_semaphore, #tpu.memory_space<semaphore_mem>>, %arg18: memref<!tpu.dma_semaphore, #tpu.memory_space<semaphore_mem>>, %arg19: memref<!tpu.dma_semaphore, #tpu.memory_space<semaphore_mem>>) attributes {dimension_semantics = [#tpu.dimension_semantics<core_parallel>, #tpu.dimension_semantics<subcore_parallel>], iteration_bounds = array<i64: 2, 16>, scalar_prefetch = 0 : i64, scratch_operands = 15 : i64, tpu.core_type = #tpu.core_type<sc_vector_subcore>, window_params = [{transform_indices = #map}, {transform_indices = #map1}, {transform_indices = #map1}]} {
    %mul3A = arith.constant 2 : i32
    %mul3A_0 = arith.muli %arg1, %mul3A : i32
    %add3A = arith.addi %mul3A_0, %arg0 : i32
    "tpu.region"() ({
      %run_scoped3A = tpu.sem_alloc : memref<!tpu.dma_semaphore, #tpu.memory_space<semaphore_mem>>
      %dma_start3A_176 = arith.constant 0 : i32
      %dma_start3A_177 = arith.constant 0 : i32
      %dma_start3A_178 = arith.constant 0 : i32
      %dma_start3A_179 = tpu.memref_slice %arg3[%add3A, %dma_start3A_176, %dma_start3A_177, %dma_start3A_178] : memref<32x100x2x128xi32, #tpu.memory_space<hbm>> -> memref<1x100x2x128xi32, #tpu.memory_space<hbm>>
      %dma_start3A_180 = tpu.memref_squeeze %dma_start3A_179 : memref<1x100x2x128xi32, #tpu.memory_space<hbm>> -> memref<100x2x128xi32, #tpu.memory_space<hbm>>
      %dma_start3A_181 = arith.constant 0 : i32
      %dma_start3A_182 = arith.constant 0 : i32
      %dma_start3A_183 = arith.constant 0 : i32
      %dma_start3A_184 = tpu.memref_slice %arg3[%add3A, %dma_start3A_181, %dma_start3A_182, %dma_start3A_183] : memref<32x100x2x128xi32, #tpu.memory_space<hbm>> -> memref<1x100x2x128xi32, #tpu.memory_space<hbm>>
      %dma_start3A_185 = tpu.memref_squeeze %dma_start3A_184 : memref<1x100x2x128xi32, #tpu.memory_space<hbm>> -> memref<100x2x128xi32, #tpu.memory_space<hbm>>
      tpu.enqueue_dma source(%dma_start3A_185 : memref<100x2x128xi32, #tpu.memory_space<hbm>>) target(%arg5 : memref<100x2x128xi32, #tpu.memory_space<vmem>>) target_semaphore(%run_scoped3A : memref<!tpu.dma_semaphore, #tpu.memory_space<semaphore_mem>>)
      %dma_wait3A_186 = arith.constant 0 : i32
      %dma_wait3A_187 = arith.constant 0 : i32
      %dma_wait3A_188 = arith.constant 0 : i32
      %dma_wait3A_189 = tpu.memref_slice %arg3[%add3A, %dma_wait3A_186, %dma_wait3A_187, %dma_wait3A_188] : memref<32x100x2x128xi32, #tpu.memory_space<hbm>> -> memref<1x100x2x128xi32, #tpu.memory_space<hbm>>
      %dma_wait3A_190 = tpu.memref_squeeze %dma_wait3A_189 : memref<1x100x2x128xi32, #tpu.memory_space<hbm>> -> memref<100x2x128xi32, #tpu.memory_space<hbm>>
      %dma_wait3A_191 = arith.constant 0 : i32
      %dma_wait3A_192 = arith.constant 0 : i32
      %dma_wait3A_193 = arith.constant 0 : i32
      %dma_wait3A_194 = tpu.memref_slice %arg3[%add3A, %dma_wait3A_191, %dma_wait3A_192, %dma_wait3A_193] : memref<32x100x2x128xi32, #tpu.memory_space<hbm>> -> memref<1x100x2x128xi32, #tpu.memory_space<hbm>>
      %dma_wait3A_195 = tpu.memref_squeeze %dma_wait3A_194 : memref<1x100x2x128xi32, #tpu.memory_space<hbm>> -> memref<100x2x128xi32, #tpu.memory_space<hbm>>
      tpu.wait_dma2 semaphore(%run_scoped3A : memref<!tpu.dma_semaphore, #tpu.memory_space<semaphore_mem>>) src(%dma_wait3A_195 : memref<100x2x128xi32, #tpu.memory_space<hbm>>) dst(%arg5 : memref<100x2x128xi32, #tpu.memory_space<vmem>>)
      tpu.yield
    }) : () -> ()
    %dma_start3A = arith.constant 0 : i32
    %dma_start3A_1 = arith.constant 0 : i32
    %dma_start3A_2 = arith.constant 0 : i32
    %dma_start3A_3 = arith.constant 0 : i32
    %dma_start3A_4 = arith.constant 0 : i32
    %dma_start3A_5 = tpu.memref_slice %arg6[%dma_start3A_2, %dma_start3A_3, %dma_start3A_4] : memref<4x256x32xf32, #tpu.memory_space<vmem>> -> memref<1x128x32xf32, #tpu.memory_space<vmem>>
    %dma_start3A_6 = tpu.memref_squeeze %dma_start3A_5 : memref<1x128x32xf32, #tpu.memory_space<vmem>> -> memref<128x32xf32, #tpu.memory_space<vmem>>
    %dma_start3A_7 = arith.constant 0 : i32
    %dma_start3A_8 = tpu.memref_slice %arg5[%dma_start3A, %dma_start3A_1, %dma_start3A_7] : memref<100x2x128xi32, #tpu.memory_space<vmem>> -> memref<1x1x128xi32, #tpu.memory_space<vmem>>
    %dma_start3A_9 = tpu.memref_squeeze %dma_start3A_8 : memref<1x1x128xi32, #tpu.memory_space<vmem>> -> memref<128xi32, #tpu.memory_space<vmem>>
    %dma_start3A_10 = arith.constant 0 : i32
    %dma_start3A_11 = arith.constant 0 : i32
    %dma_start3A_12 = tpu.memref_slice %arg2[%dma_start3A_10, %dma_start3A_11] : memref<1000000x32xf32, #tpu.memory_space<hbm>> -> memref<1000000x32xf32, #tpu.memory_space<hbm>>
    tpu.enqueue_indirect_dma source(%dma_start3A_12 : memref<1000000x32xf32, #tpu.memory_space<hbm>>) target(%dma_start3A_6 : memref<128x32xf32, #tpu.memory_space<vmem>>) offsets(%dma_start3A_9 : memref<128xi32, #tpu.memory_space<vmem>>) semaphore(%arg8 : memref<!tpu.dma_semaphore, #tpu.memory_space<semaphore_mem>>)
    %dma_start3A_13 = arith.constant 0 : i32
    %dma_start3A_14 = arith.constant 1 : i32
    %dma_start3A_15 = arith.constant 0 : i32
    %dma_start3A_16 = arith.constant 128 : i32
    %dma_start3A_17 = arith.constant 0 : i32
    %dma_start3A_18 = tpu.memref_slice %arg6[%dma_start3A_15, %dma_start3A_16, %dma_start3A_17] : memref<4x256x32xf32, #tpu.memory_space<vmem>> -> memref<1x128x32xf32, #tpu.memory_space<vmem>>
    %dma_start3A_19 = tpu.memref_squeeze %dma_start3A_18 : memref<1x128x32xf32, #tpu.memory_space<vmem>> -> memref<128x32xf32, #tpu.memory_space<vmem>>
    %dma_start3A_20 = arith.constant 0 : i32
    %dma_start3A_21 = tpu.memref_slice %arg5[%dma_start3A_13, %dma_start3A_14, %dma_start3A_20] : memref<100x2x128xi32, #tpu.memory_space<vmem>> -> memref<1x1x128xi32, #tpu.memory_space<vmem>>
    %dma_start3A_22 = tpu.memref_squeeze %dma_start3A_21 : memref<1x1x128xi32, #tpu.memory_space<vmem>> -> memref<128xi32, #tpu.memory_space<vmem>>
    %dma_start3A_23 = arith.constant 0 : i32
    %dma_start3A_24 = arith.constant 0 : i32
    %dma_start3A_25 = tpu.memref_slice %arg2[%dma_start3A_23, %dma_start3A_24] : memref<1000000x32xf32, #tpu.memory_space<hbm>> -> memref<1000000x32xf32, #tpu.memory_space<hbm>>
    tpu.enqueue_indirect_dma source(%dma_start3A_25 : memref<1000000x32xf32, #tpu.memory_space<hbm>>) target(%dma_start3A_19 : memref<128x32xf32, #tpu.memory_space<vmem>>) offsets(%dma_start3A_22 : memref<128xi32, #tpu.memory_space<vmem>>) semaphore(%arg8 : memref<!tpu.dma_semaphore, #tpu.memory_space<semaphore_mem>>)
    %dma_start3A_26 = arith.constant 1 : i32
    %dma_start3A_27 = arith.constant 0 : i32
    %dma_start3A_28 = arith.constant 1 : i32
    %dma_start3A_29 = arith.constant 0 : i32
    %dma_start3A_30 = arith.constant 0 : i32
    %dma_start3A_31 = tpu.memref_slice %arg6[%dma_start3A_28, %dma_start3A_29, %dma_start3A_30] : memref<4x256x32xf32, #tpu.memory_space<vmem>> -> memref<1x128x32xf32, #tpu.memory_space<vmem>>
    %dma_start3A_32 = tpu.memref_squeeze %dma_start3A_31 : memref<1x128x32xf32, #tpu.memory_space<vmem>> -> memref<128x32xf32, #tpu.memory_space<vmem>>
    %dma_start3A_33 = arith.constant 0 : i32
    %dma_start3A_34 = tpu.memref_slice %arg5[%dma_start3A_26, %dma_start3A_27, %dma_start3A_33] : memref<100x2x128xi32, #tpu.memory_space<vmem>> -> memref<1x1x128xi32, #tpu.memory_space<vmem>>
    %dma_start3A_35 = tpu.memref_squeeze %dma_start3A_34 : memref<1x1x128xi32, #tpu.memory_space<vmem>> -> memref<128xi32, #tpu.memory_space<vmem>>
    %dma_start3A_36 = arith.constant 0 : i32
    %dma_start3A_37 = arith.constant 0 : i32
    %dma_start3A_38 = tpu.memref_slice %arg2[%dma_start3A_36, %dma_start3A_37] : memref<1000000x32xf32, #tpu.memory_space<hbm>> -> memref<1000000x32xf32, #tpu.memory_space<hbm>>
    tpu.enqueue_indirect_dma source(%dma_start3A_38 : memref<1000000x32xf32, #tpu.memory_space<hbm>>) target(%dma_start3A_32 : memref<128x32xf32, #tpu.memory_space<vmem>>) offsets(%dma_start3A_35 : memref<128xi32, #tpu.memory_space<vmem>>) semaphore(%arg9 : memref<!tpu.dma_semaphore, #tpu.memory_space<semaphore_mem>>)
    %dma_start3A_39 = arith.constant 1 : i32
    %dma_start3A_40 = arith.constant 1 : i32
    %dma_start3A_41 = arith.constant 1 : i32
    %dma_start3A_42 = arith.constant 128 : i32
    %dma_start3A_43 = arith.constant 0 : i32
    %dma_start3A_44 = tpu.memref_slice %arg6[%dma_start3A_41, %dma_start3A_42, %dma_start3A_43] : memref<4x256x32xf32, #tpu.memory_space<vmem>> -> memref<1x128x32xf32, #tpu.memory_space<vmem>>
    %dma_start3A_45 = tpu.memref_squeeze %dma_start3A_44 : memref<1x128x32xf32, #tpu.memory_space<vmem>> -> memref<128x32xf32, #tpu.memory_space<vmem>>
    %dma_start3A_46 = arith.constant 0 : i32
    %dma_start3A_47 = tpu.memref_slice %arg5[%dma_start3A_39, %dma_start3A_40, %dma_start3A_46] : memref<100x2x128xi32, #tpu.memory_space<vmem>> -> memref<1x1x128xi32, #tpu.memory_space<vmem>>
    %dma_start3A_48 = tpu.memref_squeeze %dma_start3A_47 : memref<1x1x128xi32, #tpu.memory_space<vmem>> -> memref<128xi32, #tpu.memory_space<vmem>>
    %dma_start3A_49 = arith.constant 0 : i32
    %dma_start3A_50 = arith.constant 0 : i32
    %dma_start3A_51 = tpu.memref_slice %arg2[%dma_start3A_49, %dma_start3A_50] : memref<1000000x32xf32, #tpu.memory_space<hbm>> -> memref<1000000x32xf32, #tpu.memory_space<hbm>>
    tpu.enqueue_indirect_dma source(%dma_start3A_51 : memref<1000000x32xf32, #tpu.memory_space<hbm>>) target(%dma_start3A_45 : memref<128x32xf32, #tpu.memory_space<vmem>>) offsets(%dma_start3A_48 : memref<128xi32, #tpu.memory_space<vmem>>) semaphore(%arg9 : memref<!tpu.dma_semaphore, #tpu.memory_space<semaphore_mem>>)
    %dma_start3A_52 = arith.constant 2 : i32
    %dma_start3A_53 = arith.constant 0 : i32
    %dma_start3A_54 = arith.constant 2 : i32
    %dma_start3A_55 = arith.constant 0 : i32
    %dma_start3A_56 = arith.constant 0 : i32
    %dma_start3A_57 = tpu.memref_slice %arg6[%dma_start3A_54, %dma_start3A_55, %dma_start3A_56] : memref<4x256x32xf32, #tpu.memory_space<vmem>> -> memref<1x128x32xf32, #tpu.memory_space<vmem>>
    %dma_start3A_58 = tpu.memref_squeeze %dma_start3A_57 : memref<1x128x32xf32, #tpu.memory_space<vmem>> -> memref<128x32xf32, #tpu.memory_space<vmem>>
    %dma_start3A_59 = arith.constant 0 : i32
    %dma_start3A_60 = tpu.memref_slice %arg5[%dma_start3A_52, %dma_start3A_53, %dma_start3A_59] : memref<100x2x128xi32, #tpu.memory_space<vmem>> -> memref<1x1x128xi32, #tpu.memory_space<vmem>>
    %dma_start3A_61 = tpu.memref_squeeze %dma_start3A_60 : memref<1x1x128xi32, #tpu.memory_space<vmem>> -> memref<128xi32, #tpu.memory_space<vmem>>
    %dma_start3A_62 = arith.constant 0 : i32
    %dma_start3A_63 = arith.constant 0 : i32
    %dma_start3A_64 = tpu.memref_slice %arg2[%dma_start3A_62, %dma_start3A_63] : memref<1000000x32xf32, #tpu.memory_space<hbm>> -> memref<1000000x32xf32, #tpu.memory_space<hbm>>
    tpu.enqueue_indirect_dma source(%dma_start3A_64 : memref<1000000x32xf32, #tpu.memory_space<hbm>>) target(%dma_start3A_58 : memref<128x32xf32, #tpu.memory_space<vmem>>) offsets(%dma_start3A_61 : memref<128xi32, #tpu.memory_space<vmem>>) semaphore(%arg10 : memref<!tpu.dma_semaphore, #tpu.memory_space<semaphore_mem>>)
    %dma_start3A_65 = arith.constant 2 : i32
    %dma_start3A_66 = arith.constant 1 : i32
    %dma_start3A_67 = arith.constant 2 : i32
    %dma_start3A_68 = arith.constant 128 : i32
    %dma_start3A_69 = arith.constant 0 : i32
    %dma_start3A_70 = tpu.memref_slice %arg6[%dma_start3A_67, %dma_start3A_68, %dma_start3A_69] : memref<4x256x32xf32, #tpu.memory_space<vmem>> -> memref<1x128x32xf32, #tpu.memory_space<vmem>>
    %dma_start3A_71 = tpu.memref_squeeze %dma_start3A_70 : memref<1x128x32xf32, #tpu.memory_space<vmem>> -> memref<128x32xf32, #tpu.memory_space<vmem>>
    %dma_start3A_72 = arith.constant 0 : i32
    %dma_start3A_73 = tpu.memref_slice %arg5[%dma_start3A_65, %dma_start3A_66, %dma_start3A_72] : memref<100x2x128xi32, #tpu.memory_space<vmem>> -> memref<1x1x128xi32, #tpu.memory_space<vmem>>
    %dma_start3A_74 = tpu.memref_squeeze %dma_start3A_73 : memref<1x1x128xi32, #tpu.memory_space<vmem>> -> memref<128xi32, #tpu.memory_space<vmem>>
    %dma_start3A_75 = arith.constant 0 : i32
    %dma_start3A_76 = arith.constant 0 : i32
    %dma_start3A_77 = tpu.memref_slice %arg2[%dma_start3A_75, %dma_start3A_76] : memref<1000000x32xf32, #tpu.memory_space<hbm>> -> memref<1000000x32xf32, #tpu.memory_space<hbm>>
    tpu.enqueue_indirect_dma source(%dma_start3A_77 : memref<1000000x32xf32, #tpu.memory_space<hbm>>) target(%dma_start3A_71 : memref<128x32xf32, #tpu.memory_space<vmem>>) offsets(%dma_start3A_74 : memref<128xi32, #tpu.memory_space<vmem>>) semaphore(%arg10 : memref<!tpu.dma_semaphore, #tpu.memory_space<semaphore_mem>>)
    %dma_start3A_78 = arith.constant 3 : i32
    %dma_start3A_79 = arith.constant 0 : i32
    %dma_start3A_80 = arith.constant 3 : i32
    %dma_start3A_81 = arith.constant 0 : i32
    %dma_start3A_82 = arith.constant 0 : i32
    %dma_start3A_83 = tpu.memref_slice %arg6[%dma_start3A_80, %dma_start3A_81, %dma_start3A_82] : memref<4x256x32xf32, #tpu.memory_space<vmem>> -> memref<1x128x32xf32, #tpu.memory_space<vmem>>
    %dma_start3A_84 = tpu.memref_squeeze %dma_start3A_83 : memref<1x128x32xf32, #tpu.memory_space<vmem>> -> memref<128x32xf32, #tpu.memory_space<vmem>>
    %dma_start3A_85 = arith.constant 0 : i32
    %dma_start3A_86 = tpu.memref_slice %arg5[%dma_start3A_78, %dma_start3A_79, %dma_start3A_85] : memref<100x2x128xi32, #tpu.memory_space<vmem>> -> memref<1x1x128xi32, #tpu.memory_space<vmem>>
    %dma_start3A_87 = tpu.memref_squeeze %dma_start3A_86 : memref<1x1x128xi32, #tpu.memory_space<vmem>> -> memref<128xi32, #tpu.memory_space<vmem>>
    %dma_start3A_88 = arith.constant 0 : i32
    %dma_start3A_89 = arith.constant 0 : i32
    %dma_start3A_90 = tpu.memref_slice %arg2[%dma_start3A_88, %dma_start3A_89] : memref<1000000x32xf32, #tpu.memory_space<hbm>> -> memref<1000000x32xf32, #tpu.memory_space<hbm>>
    tpu.enqueue_indirect_dma source(%dma_start3A_90 : memref<1000000x32xf32, #tpu.memory_space<hbm>>) target(%dma_start3A_84 : memref<128x32xf32, #tpu.memory_space<vmem>>) offsets(%dma_start3A_87 : memref<128xi32, #tpu.memory_space<vmem>>) semaphore(%arg11 : memref<!tpu.dma_semaphore, #tpu.memory_space<semaphore_mem>>)
    %dma_start3A_91 = arith.constant 3 : i32
    %dma_start3A_92 = arith.constant 1 : i32
    %dma_start3A_93 = arith.constant 3 : i32
    %dma_start3A_94 = arith.constant 128 : i32
    %dma_start3A_95 = arith.constant 0 : i32
    %dma_start3A_96 = tpu.memref_slice %arg6[%dma_start3A_93, %dma_start3A_94, %dma_start3A_95] : memref<4x256x32xf32, #tpu.memory_space<vmem>> -> memref<1x128x32xf32, #tpu.memory_space<vmem>>
    %dma_start3A_97 = tpu.memref_squeeze %dma_start3A_96 : memref<1x128x32xf32, #tpu.memory_space<vmem>> -> memref<128x32xf32, #tpu.memory_space<vmem>>
    %dma_start3A_98 = arith.constant 0 : i32
    %dma_start3A_99 = tpu.memref_slice %arg5[%dma_start3A_91, %dma_start3A_92, %dma_start3A_98] : memref<100x2x128xi32, #tpu.memory_space<vmem>> -> memref<1x1x128xi32, #tpu.memory_space<vmem>>
    %dma_start3A_100 = tpu.memref_squeeze %dma_start3A_99 : memref<1x1x128xi32, #tpu.memory_space<vmem>> -> memref<128xi32, #tpu.memory_space<vmem>>
    %dma_start3A_101 = arith.constant 0 : i32
    %dma_start3A_102 = arith.constant 0 : i32
    %dma_start3A_103 = tpu.memref_slice %arg2[%dma_start3A_101, %dma_start3A_102] : memref<1000000x32xf32, #tpu.memory_space<hbm>> -> memref<1000000x32xf32, #tpu.memory_space<hbm>>
    tpu.enqueue_indirect_dma source(%dma_start3A_103 : memref<1000000x32xf32, #tpu.memory_space<hbm>>) target(%dma_start3A_97 : memref<128x32xf32, #tpu.memory_space<vmem>>) offsets(%dma_start3A_100 : memref<128xi32, #tpu.memory_space<vmem>>) semaphore(%arg11 : memref<!tpu.dma_semaphore, #tpu.memory_space<semaphore_mem>>)
    %scan3A = arith.constant 0 : i32
    %scan3A_104 = arith.constant 0 : i32
    %scan3A_105 = arith.constant 25 : i32
    %scan3A_106 = arith.addi %scan3A_104, %scan3A_105 : i32
    %scan3A_107 = arith.constant 1 : i32
    scf.for %scan3A_176 = %scan3A_104 to %scan3A_106 step %scan3A_107  : i32 {
      %mul3A_177 = arith.constant 4 : i32
      %mul3A_178 = arith.muli %mul3A_177, %scan3A_176 : i32
      %add3A_179 = arith.constant 0 : i32
      %add3A_180 = arith.addi %mul3A_178, %add3A_179 : i32
      %dma_wait3A_181 = arith.constant 0 : i32
      %dma_wait3A_182 = arith.constant 0 : i32
      %dma_wait3A_183 = arith.constant 0 : i32
      %dma_wait3A_184 = arith.constant 0 : i32
      %dma_wait3A_185 = tpu.memref_slice %arg6[%dma_wait3A_182, %dma_wait3A_183, %dma_wait3A_184] : memref<4x256x32xf32, #tpu.memory_space<vmem>> -> memref<1x128x32xf32, #tpu.memory_space<vmem>>
      %dma_wait3A_186 = tpu.memref_squeeze %dma_wait3A_185 : memref<1x128x32xf32, #tpu.memory_space<vmem>> -> memref<128x32xf32, #tpu.memory_space<vmem>>
      %dma_wait3A_187 = arith.constant 0 : i32
      %dma_wait3A_188 = tpu.memref_slice %arg5[%add3A_180, %dma_wait3A_181, %dma_wait3A_187] : memref<100x2x128xi32, #tpu.memory_space<vmem>> -> memref<1x1x128xi32, #tpu.memory_space<vmem>>
      %dma_wait3A_189 = tpu.memref_squeeze %dma_wait3A_188 : memref<1x1x128xi32, #tpu.memory_space<vmem>> -> memref<128xi32, #tpu.memory_space<vmem>>
      %dma_wait3A_190 = arith.constant 0 : i32
      %dma_wait3A_191 = arith.constant 0 : i32
      %dma_wait3A_192 = tpu.memref_slice %arg2[%dma_wait3A_190, %dma_wait3A_191] : memref<1000000x32xf32, #tpu.memory_space<hbm>> -> memref<1000000x32xf32, #tpu.memory_space<hbm>>
      tpu.wait_indirect_dma semaphore(%arg8 : memref<!tpu.dma_semaphore, #tpu.memory_space<semaphore_mem>>) src(%dma_wait3A_192 : memref<1000000x32xf32, #tpu.memory_space<hbm>>) dst(%dma_wait3A_186 : memref<128x32xf32, #tpu.memory_space<vmem>>)
      %dma_wait3A_193 = arith.constant 1 : i32
      %dma_wait3A_194 = arith.constant 0 : i32
      %dma_wait3A_195 = arith.constant 128 : i32
      %dma_wait3A_196 = arith.constant 0 : i32
      %dma_wait3A_197 = tpu.memref_slice %arg6[%dma_wait3A_194, %dma_wait3A_195, %dma_wait3A_196] : memref<4x256x32xf32, #tpu.memory_space<vmem>> -> memref<1x128x32xf32, #tpu.memory_space<vmem>>
      %dma_wait3A_198 = tpu.memref_squeeze %dma_wait3A_197 : memref<1x128x32xf32, #tpu.memory_space<vmem>> -> memref<128x32xf32, #tpu.memory_space<vmem>>
      %dma_wait3A_199 = arith.constant 0 : i32
      %dma_wait3A_200 = tpu.memref_slice %arg5[%add3A_180, %dma_wait3A_193, %dma_wait3A_199] : memref<100x2x128xi32, #tpu.memory_space<vmem>> -> memref<1x1x128xi32, #tpu.memory_space<vmem>>
      %dma_wait3A_201 = tpu.memref_squeeze %dma_wait3A_200 : memref<1x1x128xi32, #tpu.memory_space<vmem>> -> memref<128xi32, #tpu.memory_space<vmem>>
      %dma_wait3A_202 = arith.constant 0 : i32
      %dma_wait3A_203 = arith.constant 0 : i32
      %dma_wait3A_204 = tpu.memref_slice %arg2[%dma_wait3A_202, %dma_wait3A_203] : memref<1000000x32xf32, #tpu.memory_space<hbm>> -> memref<1000000x32xf32, #tpu.memory_space<hbm>>
      tpu.wait_indirect_dma semaphore(%arg8 : memref<!tpu.dma_semaphore, #tpu.memory_space<semaphore_mem>>) src(%dma_wait3A_204 : memref<1000000x32xf32, #tpu.memory_space<hbm>>) dst(%dma_wait3A_198 : memref<128x32xf32, #tpu.memory_space<vmem>>)
      %ge3A = arith.constant 1 : i32
      %ge3A_205 = arith.cmpi sge, %add3A_180, %ge3A : i32
      %convert_element_type3A = arith.extui %ge3A_205 : i1 to i32
      %cond3A = arith.constant 0 : i32
      %cond3A_206 = arith.cmpi ne, %convert_element_type3A, %cond3A : i32
      scf.if %cond3A_206 {
        %dma_wait3A_398 = arith.constant 3 : i32
        %dma_wait3A_399 = arith.constant 3 : i32
        %dma_wait3A_400 = arith.constant 0 : i32
        %dma_wait3A_401 = arith.constant 0 : i32
        %dma_wait3A_402 = tpu.memref_slice %arg6[%dma_wait3A_398, %dma_wait3A_400, %dma_wait3A_401] : memref<4x256x32xf32, #tpu.memory_space<vmem>> -> memref<1x256x32xf32, #tpu.memory_space<vmem>>
        %dma_wait3A_403 = tpu.memref_squeeze %dma_wait3A_402 : memref<1x256x32xf32, #tpu.memory_space<vmem>> -> memref<256x32xf32, #tpu.memory_space<vmem>>
        %dma_wait3A_404 = arith.constant 0 : i32
        %dma_wait3A_405 = arith.constant 0 : i32
        %dma_wait3A_406 = tpu.memref_slice %arg7[%arg1, %dma_wait3A_399, %dma_wait3A_404, %dma_wait3A_405] : memref<16x4x256x32xf32, #tpu.memory_space<vmem_shared>> -> memref<1x1x256x32xf32, #tpu.memory_space<vmem_shared>>
        %dma_wait3A_407 = tpu.memref_squeeze %dma_wait3A_406 : memref<1x1x256x32xf32, #tpu.memory_space<vmem_shared>> -> memref<256x32xf32, #tpu.memory_space<vmem_shared>>
        %dma_wait3A_408 = arith.constant 0 : i32
        %dma_wait3A_409 = arith.constant 0 : i32
        %dma_wait3A_410 = tpu.memref_slice %arg7[%arg1, %dma_wait3A_399, %dma_wait3A_408, %dma_wait3A_409] : memref<16x4x256x32xf32, #tpu.memory_space<vmem_shared>> -> memref<1x1x256x32xf32, #tpu.memory_space<vmem_shared>>
        %dma_wait3A_411 = tpu.memref_squeeze %dma_wait3A_410 : memref<1x1x256x32xf32, #tpu.memory_space<vmem_shared>> -> memref<256x32xf32, #tpu.memory_space<vmem_shared>>
        %dma_wait3A_412 = arith.constant 0 : i32
        %dma_wait3A_413 = arith.constant 0 : i32
        %dma_wait3A_414 = tpu.memref_slice %arg6[%dma_wait3A_398, %dma_wait3A_412, %dma_wait3A_413] : memref<4x256x32xf32, #tpu.memory_space<vmem>> -> memref<1x256x32xf32, #tpu.memory_space<vmem>>
        %dma_wait3A_415 = tpu.memref_squeeze %dma_wait3A_414 : memref<1x256x32xf32, #tpu.memory_space<vmem>> -> memref<256x32xf32, #tpu.memory_space<vmem>>
        tpu.wait_dma2 semaphore(%arg15 : memref<!tpu.dma_semaphore, #tpu.memory_space<semaphore_mem>>) src(%dma_wait3A_415 : memref<256x32xf32, #tpu.memory_space<vmem>>) dst(%dma_wait3A_411 : memref<256x32xf32, #tpu.memory_space<vmem_shared>>)
        %sub3A = arith.constant 1 : i32
        %sub3A_416 = arith.subi %add3A_180, %sub3A : i32
        %dma_start3A_417 = arith.constant 3 : i32
        %dma_start3A_418 = arith.constant 0 : i32
        %dma_start3A_419 = arith.constant 0 : i32
        %dma_start3A_420 = tpu.memref_slice %arg4[%add3A, %sub3A_416, %dma_start3A_418, %dma_start3A_419] : memref<32x100x256x32xf32, #tpu.memory_space<hbm>> -> memref<1x1x256x32xf32, #tpu.memory_space<hbm>>
        %dma_start3A_421 = tpu.memref_squeeze %dma_start3A_420 : memref<1x1x256x32xf32, #tpu.memory_space<hbm>> -> memref<256x32xf32, #tpu.memory_space<hbm>>
        %dma_start3A_422 = arith.constant 0 : i32
        %dma_start3A_423 = arith.constant 0 : i32
        %dma_start3A_424 = tpu.memref_slice %arg7[%arg1, %dma_start3A_417, %dma_start3A_422, %dma_start3A_423] : memref<16x4x256x32xf32, #tpu.memory_space<vmem_shared>> -> memref<1x1x256x32xf32, #tpu.memory_space<vmem_shared>>
        %dma_start3A_425 = tpu.memref_squeeze %dma_start3A_424 : memref<1x1x256x32xf32, #tpu.memory_space<vmem_shared>> -> memref<256x32xf32, #tpu.memory_space<vmem_shared>>
        tpu.enqueue_dma source(%dma_start3A_425 : memref<256x32xf32, #tpu.memory_space<vmem_shared>>) target(%dma_start3A_421 : memref<256x32xf32, #tpu.memory_space<hbm>>) target_semaphore(%arg19 : memref<!tpu.dma_semaphore, #tpu.memory_space<semaphore_mem>>)
        %sub3A_426 = arith.constant 1 : i32
        %sub3A_427 = arith.subi %add3A_180, %sub3A_426 : i32
        %add3A_428 = arith.constant 4 : i32
        %add3A_429 = arith.addi %sub3A_427, %add3A_428 : i32
        %lt3A = arith.constant 100 : i32
        %lt3A_430 = arith.cmpi slt, %add3A_429, %lt3A : i32
        %convert_element_type3A_431 = arith.extui %lt3A_430 : i1 to i32
        %cond3A_432 = arith.constant 0 : i32
        %cond3A_433 = arith.cmpi ne, %convert_element_type3A_431, %cond3A_432 : i32
        scf.if %cond3A_433 {
          %sub3A_434 = arith.constant 1 : i32
          %sub3A_435 = arith.subi %add3A_180, %sub3A_434 : i32
          %add3A_436 = arith.constant 4 : i32
          %add3A_437 = arith.addi %sub3A_435, %add3A_436 : i32
          %dma_start3A_438 = arith.constant 0 : i32
          %dma_start3A_439 = arith.constant 3 : i32
          %dma_start3A_440 = arith.constant 0 : i32
          %dma_start3A_441 = arith.constant 0 : i32
          %dma_start3A_442 = tpu.memref_slice %arg6[%dma_start3A_439, %dma_start3A_440, %dma_start3A_441] : memref<4x256x32xf32, #tpu.memory_space<vmem>> -> memref<1x128x32xf32, #tpu.memory_space<vmem>>
          %dma_start3A_443 = tpu.memref_squeeze %dma_start3A_442 : memref<1x128x32xf32, #tpu.memory_space<vmem>> -> memref<128x32xf32, #tpu.memory_space<vmem>>
          %dma_start3A_444 = arith.constant 0 : i32
          %dma_start3A_445 = tpu.memref_slice %arg5[%add3A_437, %dma_start3A_438, %dma_start3A_444] : memref<100x2x128xi32, #tpu.memory_space<vmem>> -> memref<1x1x128xi32, #tpu.memory_space<vmem>>
          %dma_start3A_446 = tpu.memref_squeeze %dma_start3A_445 : memref<1x1x128xi32, #tpu.memory_space<vmem>> -> memref<128xi32, #tpu.memory_space<vmem>>
          %dma_start3A_447 = arith.constant 0 : i32
          %dma_start3A_448 = arith.constant 0 : i32
          %dma_start3A_449 = tpu.memref_slice %arg2[%dma_start3A_447, %dma_start3A_448] : memref<1000000x32xf32, #tpu.memory_space<hbm>> -> memref<1000000x32xf32, #tpu.memory_space<hbm>>
          tpu.enqueue_indirect_dma source(%dma_start3A_449 : memref<1000000x32xf32, #tpu.memory_space<hbm>>) target(%dma_start3A_443 : memref<128x32xf32, #tpu.memory_space<vmem>>) offsets(%dma_start3A_446 : memref<128xi32, #tpu.memory_space<vmem>>) semaphore(%arg11 : memref<!tpu.dma_semaphore, #tpu.memory_space<semaphore_mem>>)
          %dma_start3A_450 = arith.constant 1 : i32
          %dma_start3A_451 = arith.constant 3 : i32
          %dma_start3A_452 = arith.constant 128 : i32
          %dma_start3A_453 = arith.constant 0 : i32
          %dma_start3A_454 = tpu.memref_slice %arg6[%dma_start3A_451, %dma_start3A_452, %dma_start3A_453] : memref<4x256x32xf32, #tpu.memory_space<vmem>> -> memref<1x128x32xf32, #tpu.memory_space<vmem>>
          %dma_start3A_455 = tpu.memref_squeeze %dma_start3A_454 : memref<1x128x32xf32, #tpu.memory_space<vmem>> -> memref<128x32xf32, #tpu.memory_space<vmem>>
          %dma_start3A_456 = arith.constant 0 : i32
          %dma_start3A_457 = tpu.memref_slice %arg5[%add3A_437, %dma_start3A_450, %dma_start3A_456] : memref<100x2x128xi32, #tpu.memory_space<vmem>> -> memref<1x1x128xi32, #tpu.memory_space<vmem>>
          %dma_start3A_458 = tpu.memref_squeeze %dma_start3A_457 : memref<1x1x128xi32, #tpu.memory_space<vmem>> -> memref<128xi32, #tpu.memory_space<vmem>>
          %dma_start3A_459 = arith.constant 0 : i32
          %dma_start3A_460 = arith.constant 0 : i32
          %dma_start3A_461 = tpu.memref_slice %arg2[%dma_start3A_459, %dma_start3A_460] : memref<1000000x32xf32, #tpu.memory_space<hbm>> -> memref<1000000x32xf32, #tpu.memory_space<hbm>>
          tpu.enqueue_indirect_dma source(%dma_start3A_461 : memref<1000000x32xf32, #tpu.memory_space<hbm>>) target(%dma_start3A_455 : memref<128x32xf32, #tpu.memory_space<vmem>>) offsets(%dma_start3A_458 : memref<128xi32, #tpu.memory_space<vmem>>) semaphore(%arg11 : memref<!tpu.dma_semaphore, #tpu.memory_space<semaphore_mem>>)
        } else {
        }
      } else {
      }
      %ge3A_207 = arith.constant 4 : i32
      %ge3A_208 = arith.cmpi sge, %add3A_180, %ge3A_207 : i32
      %convert_element_type3A_209 = arith.extui %ge3A_208 : i1 to i32
      %cond3A_210 = arith.constant 0 : i32
      %cond3A_211 = arith.cmpi ne, %convert_element_type3A_209, %cond3A_210 : i32
      scf.if %cond3A_211 {
        %sub3A = arith.constant 4 : i32
        %sub3A_398 = arith.subi %add3A_180, %sub3A : i32
        %dma_wait3A_399 = arith.constant 0 : i32
        %dma_wait3A_400 = arith.constant 0 : i32
        %dma_wait3A_401 = arith.constant 0 : i32
        %dma_wait3A_402 = tpu.memref_slice %arg4[%add3A, %sub3A_398, %dma_wait3A_400, %dma_wait3A_401] : memref<32x100x256x32xf32, #tpu.memory_space<hbm>> -> memref<1x1x256x32xf32, #tpu.memory_space<hbm>>
        %dma_wait3A_403 = tpu.memref_squeeze %dma_wait3A_402 : memref<1x1x256x32xf32, #tpu.memory_space<hbm>> -> memref<256x32xf32, #tpu.memory_space<hbm>>
        %dma_wait3A_404 = arith.constant 0 : i32
        %dma_wait3A_405 = arith.constant 0 : i32
        %dma_wait3A_406 = tpu.memref_slice %arg7[%arg1, %dma_wait3A_399, %dma_wait3A_404, %dma_wait3A_405] : memref<16x4x256x32xf32, #tpu.memory_space<vmem_shared>> -> memref<1x1x256x32xf32, #tpu.memory_space<vmem_shared>>
        %dma_wait3A_407 = tpu.memref_squeeze %dma_wait3A_406 : memref<1x1x256x32xf32, #tpu.memory_space<vmem_shared>> -> memref<256x32xf32, #tpu.memory_space<vmem_shared>>
        tpu.wait_dma2 semaphore(%arg16 : memref<!tpu.dma_semaphore, #tpu.memory_space<semaphore_mem>>) src(%dma_wait3A_407 : memref<256x32xf32, #tpu.memory_space<vmem_shared>>) dst(%dma_wait3A_403 : memref<256x32xf32, #tpu.memory_space<hbm>>)
      } else {
      }
      %dma_start3A_212 = arith.constant 0 : i32
      %dma_start3A_213 = arith.constant 0 : i32
      %dma_start3A_214 = arith.constant 0 : i32
      %dma_start3A_215 = arith.constant 0 : i32
      %dma_start3A_216 = tpu.memref_slice %arg6[%dma_start3A_212, %dma_start3A_214, %dma_start3A_215] : memref<4x256x32xf32, #tpu.memory_space<vmem>> -> memref<1x256x32xf32, #tpu.memory_space<vmem>>
      %dma_start3A_217 = tpu.memref_squeeze %dma_start3A_216 : memref<1x256x32xf32, #tpu.memory_space<vmem>> -> memref<256x32xf32, #tpu.memory_space<vmem>>
      %dma_start3A_218 = arith.constant 0 : i32
      %dma_start3A_219 = arith.constant 0 : i32
      %dma_start3A_220 = tpu.memref_slice %arg7[%arg1, %dma_start3A_213, %dma_start3A_218, %dma_start3A_219] : memref<16x4x256x32xf32, #tpu.memory_space<vmem_shared>> -> memref<1x1x256x32xf32, #tpu.memory_space<vmem_shared>>
      %dma_start3A_221 = tpu.memref_squeeze %dma_start3A_220 : memref<1x1x256x32xf32, #tpu.memory_space<vmem_shared>> -> memref<256x32xf32, #tpu.memory_space<vmem_shared>>
      %dma_start3A_222 = arith.constant 0 : i32
      %dma_start3A_223 = arith.constant 0 : i32
      %dma_start3A_224 = tpu.memref_slice %arg7[%arg1, %dma_start3A_213, %dma_start3A_222, %dma_start3A_223] : memref<16x4x256x32xf32, #tpu.memory_space<vmem_shared>> -> memref<1x1x256x32xf32, #tpu.memory_space<vmem_shared>>
      %dma_start3A_225 = tpu.memref_squeeze %dma_start3A_224 : memref<1x1x256x32xf32, #tpu.memory_space<vmem_shared>> -> memref<256x32xf32, #tpu.memory_space<vmem_shared>>
      %dma_start3A_226 = arith.constant 0 : i32
      %dma_start3A_227 = arith.constant 0 : i32
      %dma_start3A_228 = tpu.memref_slice %arg6[%dma_start3A_212, %dma_start3A_226, %dma_start3A_227] : memref<4x256x32xf32, #tpu.memory_space<vmem>> -> memref<1x256x32xf32, #tpu.memory_space<vmem>>
      %dma_start3A_229 = tpu.memref_squeeze %dma_start3A_228 : memref<1x256x32xf32, #tpu.memory_space<vmem>> -> memref<256x32xf32, #tpu.memory_space<vmem>>
      tpu.enqueue_dma source(%dma_start3A_229 : memref<256x32xf32, #tpu.memory_space<vmem>>) target(%dma_start3A_225 : memref<256x32xf32, #tpu.memory_space<vmem_shared>>) target_semaphore(%arg12 : memref<!tpu.dma_semaphore, #tpu.memory_space<semaphore_mem>>)
      %mul3A_230 = arith.constant 4 : i32
      %mul3A_231 = arith.muli %mul3A_230, %scan3A_176 : i32
      %add3A_232 = arith.constant 1 : i32
      %add3A_233 = arith.addi %mul3A_231, %add3A_232 : i32
      %dma_wait3A_234 = arith.constant 0 : i32
      %dma_wait3A_235 = arith.constant 1 : i32
      %dma_wait3A_236 = arith.constant 0 : i32
      %dma_wait3A_237 = arith.constant 0 : i32
      %dma_wait3A_238 = tpu.memref_slice %arg6[%dma_wait3A_235, %dma_wait3A_236, %dma_wait3A_237] : memref<4x256x32xf32, #tpu.memory_space<vmem>> -> memref<1x128x32xf32, #tpu.memory_space<vmem>>
      %dma_wait3A_239 = tpu.memref_squeeze %dma_wait3A_238 : memref<1x128x32xf32, #tpu.memory_space<vmem>> -> memref<128x32xf32, #tpu.memory_space<vmem>>
      %dma_wait3A_240 = arith.constant 0 : i32
      %dma_wait3A_241 = tpu.memref_slice %arg5[%add3A_233, %dma_wait3A_234, %dma_wait3A_240] : memref<100x2x128xi32, #tpu.memory_space<vmem>> -> memref<1x1x128xi32, #tpu.memory_space<vmem>>
      %dma_wait3A_242 = tpu.memref_squeeze %dma_wait3A_241 : memref<1x1x128xi32, #tpu.memory_space<vmem>> -> memref<128xi32, #tpu.memory_space<vmem>>
      %dma_wait3A_243 = arith.constant 0 : i32
      %dma_wait3A_244 = arith.constant 0 : i32
      %dma_wait3A_245 = tpu.memref_slice %arg2[%dma_wait3A_243, %dma_wait3A_244] : memref<1000000x32xf32, #tpu.memory_space<hbm>> -> memref<1000000x32xf32, #tpu.memory_space<hbm>>
      tpu.wait_indirect_dma semaphore(%arg9 : memref<!tpu.dma_semaphore, #tpu.memory_space<semaphore_mem>>) src(%dma_wait3A_245 : memref<1000000x32xf32, #tpu.memory_space<hbm>>) dst(%dma_wait3A_239 : memref<128x32xf32, #tpu.memory_space<vmem>>)
      %dma_wait3A_246 = arith.constant 1 : i32
      %dma_wait3A_247 = arith.constant 1 : i32
      %dma_wait3A_248 = arith.constant 128 : i32
      %dma_wait3A_249 = arith.constant 0 : i32
      %dma_wait3A_250 = tpu.memref_slice %arg6[%dma_wait3A_247, %dma_wait3A_248, %dma_wait3A_249] : memref<4x256x32xf32, #tpu.memory_space<vmem>> -> memref<1x128x32xf32, #tpu.memory_space<vmem>>
      %dma_wait3A_251 = tpu.memref_squeeze %dma_wait3A_250 : memref<1x128x32xf32, #tpu.memory_space<vmem>> -> memref<128x32xf32, #tpu.memory_space<vmem>>
      %dma_wait3A_252 = arith.constant 0 : i32
      %dma_wait3A_253 = tpu.memref_slice %arg5[%add3A_233, %dma_wait3A_246, %dma_wait3A_252] : memref<100x2x128xi32, #tpu.memory_space<vmem>> -> memref<1x1x128xi32, #tpu.memory_space<vmem>>
      %dma_wait3A_254 = tpu.memref_squeeze %dma_wait3A_253 : memref<1x1x128xi32, #tpu.memory_space<vmem>> -> memref<128xi32, #tpu.memory_space<vmem>>
      %dma_wait3A_255 = arith.constant 0 : i32
      %dma_wait3A_256 = arith.constant 0 : i32
      %dma_wait3A_257 = tpu.memref_slice %arg2[%dma_wait3A_255, %dma_wait3A_256] : memref<1000000x32xf32, #tpu.memory_space<hbm>> -> memref<1000000x32xf32, #tpu.memory_space<hbm>>
      tpu.wait_indirect_dma semaphore(%arg9 : memref<!tpu.dma_semaphore, #tpu.memory_space<semaphore_mem>>) src(%dma_wait3A_257 : memref<1000000x32xf32, #tpu.memory_space<hbm>>) dst(%dma_wait3A_251 : memref<128x32xf32, #tpu.memory_space<vmem>>)
      %ge3A_258 = arith.constant 1 : i32
      %ge3A_259 = arith.cmpi sge, %add3A_233, %ge3A_258 : i32
      %convert_element_type3A_260 = arith.extui %ge3A_259 : i1 to i32
      %cond3A_261 = arith.constant 0 : i32
      %cond3A_262 = arith.cmpi ne, %convert_element_type3A_260, %cond3A_261 : i32
      scf.if %cond3A_262 {
        %dma_wait3A_398 = arith.constant 0 : i32
        %dma_wait3A_399 = arith.constant 0 : i32
        %dma_wait3A_400 = arith.constant 0 : i32
        %dma_wait3A_401 = arith.constant 0 : i32
        %dma_wait3A_402 = tpu.memref_slice %arg6[%dma_wait3A_398, %dma_wait3A_400, %dma_wait3A_401] : memref<4x256x32xf32, #tpu.memory_space<vmem>> -> memref<1x256x32xf32, #tpu.memory_space<vmem>>
        %dma_wait3A_403 = tpu.memref_squeeze %dma_wait3A_402 : memref<1x256x32xf32, #tpu.memory_space<vmem>> -> memref<256x32xf32, #tpu.memory_space<vmem>>
        %dma_wait3A_404 = arith.constant 0 : i32
        %dma_wait3A_405 = arith.constant 0 : i32
        %dma_wait3A_406 = tpu.memref_slice %arg7[%arg1, %dma_wait3A_399, %dma_wait3A_404, %dma_wait3A_405] : memref<16x4x256x32xf32, #tpu.memory_space<vmem_shared>> -> memref<1x1x256x32xf32, #tpu.memory_space<vmem_shared>>
        %dma_wait3A_407 = tpu.memref_squeeze %dma_wait3A_406 : memref<1x1x256x32xf32, #tpu.memory_space<vmem_shared>> -> memref<256x32xf32, #tpu.memory_space<vmem_shared>>
        %dma_wait3A_408 = arith.constant 0 : i32
        %dma_wait3A_409 = arith.constant 0 : i32
        %dma_wait3A_410 = tpu.memref_slice %arg7[%arg1, %dma_wait3A_399, %dma_wait3A_408, %dma_wait3A_409] : memref<16x4x256x32xf32, #tpu.memory_space<vmem_shared>> -> memref<1x1x256x32xf32, #tpu.memory_space<vmem_shared>>
        %dma_wait3A_411 = tpu.memref_squeeze %dma_wait3A_410 : memref<1x1x256x32xf32, #tpu.memory_space<vmem_shared>> -> memref<256x32xf32, #tpu.memory_space<vmem_shared>>
        %dma_wait3A_412 = arith.constant 0 : i32
        %dma_wait3A_413 = arith.constant 0 : i32
        %dma_wait3A_414 = tpu.memref_slice %arg6[%dma_wait3A_398, %dma_wait3A_412, %dma_wait3A_413] : memref<4x256x32xf32, #tpu.memory_space<vmem>> -> memref<1x256x32xf32, #tpu.memory_space<vmem>>
        %dma_wait3A_415 = tpu.memref_squeeze %dma_wait3A_414 : memref<1x256x32xf32, #tpu.memory_space<vmem>> -> memref<256x32xf32, #tpu.memory_space<vmem>>
        tpu.wait_dma2 semaphore(%arg12 : memref<!tpu.dma_semaphore, #tpu.memory_space<semaphore_mem>>) src(%dma_wait3A_415 : memref<256x32xf32, #tpu.memory_space<vmem>>) dst(%dma_wait3A_411 : memref<256x32xf32, #tpu.memory_space<vmem_shared>>)
        %sub3A = arith.constant 1 : i32
        %sub3A_416 = arith.subi %add3A_233, %sub3A : i32
        %dma_start3A_417 = arith.constant 0 : i32
        %dma_start3A_418 = arith.constant 0 : i32
        %dma_start3A_419 = arith.constant 0 : i32
        %dma_start3A_420 = tpu.memref_slice %arg4[%add3A, %sub3A_416, %dma_start3A_418, %dma_start3A_419] : memref<32x100x256x32xf32, #tpu.memory_space<hbm>> -> memref<1x1x256x32xf32, #tpu.memory_space<hbm>>
        %dma_start3A_421 = tpu.memref_squeeze %dma_start3A_420 : memref<1x1x256x32xf32, #tpu.memory_space<hbm>> -> memref<256x32xf32, #tpu.memory_space<hbm>>
        %dma_start3A_422 = arith.constant 0 : i32
        %dma_start3A_423 = arith.constant 0 : i32
        %dma_start3A_424 = tpu.memref_slice %arg7[%arg1, %dma_start3A_417, %dma_start3A_422, %dma_start3A_423] : memref<16x4x256x32xf32, #tpu.memory_space<vmem_shared>> -> memref<1x1x256x32xf32, #tpu.memory_space<vmem_shared>>
        %dma_start3A_425 = tpu.memref_squeeze %dma_start3A_424 : memref<1x1x256x32xf32, #tpu.memory_space<vmem_shared>> -> memref<256x32xf32, #tpu.memory_space<vmem_shared>>
        tpu.enqueue_dma source(%dma_start3A_425 : memref<256x32xf32, #tpu.memory_space<vmem_shared>>) target(%dma_start3A_421 : memref<256x32xf32, #tpu.memory_space<hbm>>) target_semaphore(%arg16 : memref<!tpu.dma_semaphore, #tpu.memory_space<semaphore_mem>>)
        %sub3A_426 = arith.constant 1 : i32
        %sub3A_427 = arith.subi %add3A_233, %sub3A_426 : i32
        %add3A_428 = arith.constant 4 : i32
        %add3A_429 = arith.addi %sub3A_427, %add3A_428 : i32
        %lt3A = arith.constant 100 : i32
        %lt3A_430 = arith.cmpi slt, %add3A_429, %lt3A : i32
        %convert_element_type3A_431 = arith.extui %lt3A_430 : i1 to i32
        %cond3A_432 = arith.constant 0 : i32
        %cond3A_433 = arith.cmpi ne, %convert_element_type3A_431, %cond3A_432 : i32
        scf.if %cond3A_433 {
          %sub3A_434 = arith.constant 1 : i32
          %sub3A_435 = arith.subi %add3A_233, %sub3A_434 : i32
          %add3A_436 = arith.constant 4 : i32
          %add3A_437 = arith.addi %sub3A_435, %add3A_436 : i32
          %dma_start3A_438 = arith.constant 0 : i32
          %dma_start3A_439 = arith.constant 0 : i32
          %dma_start3A_440 = arith.constant 0 : i32
          %dma_start3A_441 = arith.constant 0 : i32
          %dma_start3A_442 = tpu.memref_slice %arg6[%dma_start3A_439, %dma_start3A_440, %dma_start3A_441] : memref<4x256x32xf32, #tpu.memory_space<vmem>> -> memref<1x128x32xf32, #tpu.memory_space<vmem>>
          %dma_start3A_443 = tpu.memref_squeeze %dma_start3A_442 : memref<1x128x32xf32, #tpu.memory_space<vmem>> -> memref<128x32xf32, #tpu.memory_space<vmem>>
          %dma_start3A_444 = arith.constant 0 : i32
          %dma_start3A_445 = tpu.memref_slice %arg5[%add3A_437, %dma_start3A_438, %dma_start3A_444] : memref<100x2x128xi32, #tpu.memory_space<vmem>> -> memref<1x1x128xi32, #tpu.memory_space<vmem>>
          %dma_start3A_446 = tpu.memref_squeeze %dma_start3A_445 : memref<1x1x128xi32, #tpu.memory_space<vmem>> -> memref<128xi32, #tpu.memory_space<vmem>>
          %dma_start3A_447 = arith.constant 0 : i32
          %dma_start3A_448 = arith.constant 0 : i32
          %dma_start3A_449 = tpu.memref_slice %arg2[%dma_start3A_447, %dma_start3A_448] : memref<1000000x32xf32, #tpu.memory_space<hbm>> -> memref<1000000x32xf32, #tpu.memory_space<hbm>>
          tpu.enqueue_indirect_dma source(%dma_start3A_449 : memref<1000000x32xf32, #tpu.memory_space<hbm>>) target(%dma_start3A_443 : memref<128x32xf32, #tpu.memory_space<vmem>>) offsets(%dma_start3A_446 : memref<128xi32, #tpu.memory_space<vmem>>) semaphore(%arg8 : memref<!tpu.dma_semaphore, #tpu.memory_space<semaphore_mem>>)
          %dma_start3A_450 = arith.constant 1 : i32
          %dma_start3A_451 = arith.constant 0 : i32
          %dma_start3A_452 = arith.constant 128 : i32
          %dma_start3A_453 = arith.constant 0 : i32
          %dma_start3A_454 = tpu.memref_slice %arg6[%dma_start3A_451, %dma_start3A_452, %dma_start3A_453] : memref<4x256x32xf32, #tpu.memory_space<vmem>> -> memref<1x128x32xf32, #tpu.memory_space<vmem>>
          %dma_start3A_455 = tpu.memref_squeeze %dma_start3A_454 : memref<1x128x32xf32, #tpu.memory_space<vmem>> -> memref<128x32xf32, #tpu.memory_space<vmem>>
          %dma_start3A_456 = arith.constant 0 : i32
          %dma_start3A_457 = tpu.memref_slice %arg5[%add3A_437, %dma_start3A_450, %dma_start3A_456] : memref<100x2x128xi32, #tpu.memory_space<vmem>> -> memref<1x1x128xi32, #tpu.memory_space<vmem>>
          %dma_start3A_458 = tpu.memref_squeeze %dma_start3A_457 : memref<1x1x128xi32, #tpu.memory_space<vmem>> -> memref<128xi32, #tpu.memory_space<vmem>>
          %dma_start3A_459 = arith.constant 0 : i32
          %dma_start3A_460 = arith.constant 0 : i32
          %dma_start3A_461 = tpu.memref_slice %arg2[%dma_start3A_459, %dma_start3A_460] : memref<1000000x32xf32, #tpu.memory_space<hbm>> -> memref<1000000x32xf32, #tpu.memory_space<hbm>>
          tpu.enqueue_indirect_dma source(%dma_start3A_461 : memref<1000000x32xf32, #tpu.memory_space<hbm>>) target(%dma_start3A_455 : memref<128x32xf32, #tpu.memory_space<vmem>>) offsets(%dma_start3A_458 : memref<128xi32, #tpu.memory_space<vmem>>) semaphore(%arg8 : memref<!tpu.dma_semaphore, #tpu.memory_space<semaphore_mem>>)
        } else {
        }
      } else {
      }
      %ge3A_263 = arith.constant 4 : i32
      %ge3A_264 = arith.cmpi sge, %add3A_233, %ge3A_263 : i32
      %convert_element_type3A_265 = arith.extui %ge3A_264 : i1 to i32
      %cond3A_266 = arith.constant 0 : i32
      %cond3A_267 = arith.cmpi ne, %convert_element_type3A_265, %cond3A_266 : i32
      scf.if %cond3A_267 {
        %sub3A = arith.constant 4 : i32
        %sub3A_398 = arith.subi %add3A_233, %sub3A : i32
        %dma_wait3A_399 = arith.constant 1 : i32
        %dma_wait3A_400 = arith.constant 0 : i32
        %dma_wait3A_401 = arith.constant 0 : i32
        %dma_wait3A_402 = tpu.memref_slice %arg4[%add3A, %sub3A_398, %dma_wait3A_400, %dma_wait3A_401] : memref<32x100x256x32xf32, #tpu.memory_space<hbm>> -> memref<1x1x256x32xf32, #tpu.memory_space<hbm>>
        %dma_wait3A_403 = tpu.memref_squeeze %dma_wait3A_402 : memref<1x1x256x32xf32, #tpu.memory_space<hbm>> -> memref<256x32xf32, #tpu.memory_space<hbm>>
        %dma_wait3A_404 = arith.constant 0 : i32
        %dma_wait3A_405 = arith.constant 0 : i32
        %dma_wait3A_406 = tpu.memref_slice %arg7[%arg1, %dma_wait3A_399, %dma_wait3A_404, %dma_wait3A_405] : memref<16x4x256x32xf32, #tpu.memory_space<vmem_shared>> -> memref<1x1x256x32xf32, #tpu.memory_space<vmem_shared>>
        %dma_wait3A_407 = tpu.memref_squeeze %dma_wait3A_406 : memref<1x1x256x32xf32, #tpu.memory_space<vmem_shared>> -> memref<256x32xf32, #tpu.memory_space<vmem_shared>>
        tpu.wait_dma2 semaphore(%arg17 : memref<!tpu.dma_semaphore, #tpu.memory_space<semaphore_mem>>) src(%dma_wait3A_407 : memref<256x32xf32, #tpu.memory_space<vmem_shared>>) dst(%dma_wait3A_403 : memref<256x32xf32, #tpu.memory_space<hbm>>)
      } else {
      }
      %dma_start3A_268 = arith.constant 1 : i32
      %dma_start3A_269 = arith.constant 1 : i32
      %dma_start3A_270 = arith.constant 0 : i32
      %dma_start3A_271 = arith.constant 0 : i32
      %dma_start3A_272 = tpu.memref_slice %arg6[%dma_start3A_268, %dma_start3A_270, %dma_start3A_271] : memref<4x256x32xf32, #tpu.memory_space<vmem>> -> memref<1x256x32xf32, #tpu.memory_space<vmem>>
      %dma_start3A_273 = tpu.memref_squeeze %dma_start3A_272 : memref<1x256x32xf32, #tpu.memory_space<vmem>> -> memref<256x32xf32, #tpu.memory_space<vmem>>
      %dma_start3A_274 = arith.constant 0 : i32
      %dma_start3A_275 = arith.constant 0 : i32
      %dma_start3A_276 = tpu.memref_slice %arg7[%arg1, %dma_start3A_269, %dma_start3A_274, %dma_start3A_275] : memref<16x4x256x32xf32, #tpu.memory_space<vmem_shared>> -> memref<1x1x256x32xf32, #tpu.memory_space<vmem_shared>>
      %dma_start3A_277 = tpu.memref_squeeze %dma_start3A_276 : memref<1x1x256x32xf32, #tpu.memory_space<vmem_shared>> -> memref<256x32xf32, #tpu.memory_space<vmem_shared>>
      %dma_start3A_278 = arith.constant 0 : i32
      %dma_start3A_279 = arith.constant 0 : i32
      %dma_start3A_280 = tpu.memref_slice %arg7[%arg1, %dma_start3A_269, %dma_start3A_278, %dma_start3A_279] : memref<16x4x256x32xf32, #tpu.memory_space<vmem_shared>> -> memref<1x1x256x32xf32, #tpu.memory_space<vmem_shared>>
      %dma_start3A_281 = tpu.memref_squeeze %dma_start3A_280 : memref<1x1x256x32xf32, #tpu.memory_space<vmem_shared>> -> memref<256x32xf32, #tpu.memory_space<vmem_shared>>
      %dma_start3A_282 = arith.constant 0 : i32
      %dma_start3A_283 = arith.constant 0 : i32
      %dma_start3A_284 = tpu.memref_slice %arg6[%dma_start3A_268, %dma_start3A_282, %dma_start3A_283] : memref<4x256x32xf32, #tpu.memory_space<vmem>> -> memref<1x256x32xf32, #tpu.memory_space<vmem>>
      %dma_start3A_285 = tpu.memref_squeeze %dma_start3A_284 : memref<1x256x32xf32, #tpu.memory_space<vmem>> -> memref<256x32xf32, #tpu.memory_space<vmem>>
      tpu.enqueue_dma source(%dma_start3A_285 : memref<256x32xf32, #tpu.memory_space<vmem>>) target(%dma_start3A_281 : memref<256x32xf32, #tpu.memory_space<vmem_shared>>) target_semaphore(%arg13 : memref<!tpu.dma_semaphore, #tpu.memory_space<semaphore_mem>>)
      %mul3A_286 = arith.constant 4 : i32
      %mul3A_287 = arith.muli %mul3A_286, %scan3A_176 : i32
      %add3A_288 = arith.constant 2 : i32
      %add3A_289 = arith.addi %mul3A_287, %add3A_288 : i32
      %dma_wait3A_290 = arith.constant 0 : i32
      %dma_wait3A_291 = arith.constant 2 : i32
      %dma_wait3A_292 = arith.constant 0 : i32
      %dma_wait3A_293 = arith.constant 0 : i32
      %dma_wait3A_294 = tpu.memref_slice %arg6[%dma_wait3A_291, %dma_wait3A_292, %dma_wait3A_293] : memref<4x256x32xf32, #tpu.memory_space<vmem>> -> memref<1x128x32xf32, #tpu.memory_space<vmem>>
      %dma_wait3A_295 = tpu.memref_squeeze %dma_wait3A_294 : memref<1x128x32xf32, #tpu.memory_space<vmem>> -> memref<128x32xf32, #tpu.memory_space<vmem>>
      %dma_wait3A_296 = arith.constant 0 : i32
      %dma_wait3A_297 = tpu.memref_slice %arg5[%add3A_289, %dma_wait3A_290, %dma_wait3A_296] : memref<100x2x128xi32, #tpu.memory_space<vmem>> -> memref<1x1x128xi32, #tpu.memory_space<vmem>>
      %dma_wait3A_298 = tpu.memref_squeeze %dma_wait3A_297 : memref<1x1x128xi32, #tpu.memory_space<vmem>> -> memref<128xi32, #tpu.memory_space<vmem>>
      %dma_wait3A_299 = arith.constant 0 : i32
      %dma_wait3A_300 = arith.constant 0 : i32
      %dma_wait3A_301 = tpu.memref_slice %arg2[%dma_wait3A_299, %dma_wait3A_300] : memref<1000000x32xf32, #tpu.memory_space<hbm>> -> memref<1000000x32xf32, #tpu.memory_space<hbm>>
      tpu.wait_indirect_dma semaphore(%arg10 : memref<!tpu.dma_semaphore, #tpu.memory_space<semaphore_mem>>) src(%dma_wait3A_301 : memref<1000000x32xf32, #tpu.memory_space<hbm>>) dst(%dma_wait3A_295 : memref<128x32xf32, #tpu.memory_space<vmem>>)
      %dma_wait3A_302 = arith.constant 1 : i32
      %dma_wait3A_303 = arith.constant 2 : i32
      %dma_wait3A_304 = arith.constant 128 : i32
      %dma_wait3A_305 = arith.constant 0 : i32
      %dma_wait3A_306 = tpu.memref_slice %arg6[%dma_wait3A_303, %dma_wait3A_304, %dma_wait3A_305] : memref<4x256x32xf32, #tpu.memory_space<vmem>> -> memref<1x128x32xf32, #tpu.memory_space<vmem>>
      %dma_wait3A_307 = tpu.memref_squeeze %dma_wait3A_306 : memref<1x128x32xf32, #tpu.memory_space<vmem>> -> memref<128x32xf32, #tpu.memory_space<vmem>>
      %dma_wait3A_308 = arith.constant 0 : i32
      %dma_wait3A_309 = tpu.memref_slice %arg5[%add3A_289, %dma_wait3A_302, %dma_wait3A_308] : memref<100x2x128xi32, #tpu.memory_space<vmem>> -> memref<1x1x128xi32, #tpu.memory_space<vmem>>
      %dma_wait3A_310 = tpu.memref_squeeze %dma_wait3A_309 : memref<1x1x128xi32, #tpu.memory_space<vmem>> -> memref<128xi32, #tpu.memory_space<vmem>>
      %dma_wait3A_311 = arith.constant 0 : i32
      %dma_wait3A_312 = arith.constant 0 : i32
      %dma_wait3A_313 = tpu.memref_slice %arg2[%dma_wait3A_311, %dma_wait3A_312] : memref<1000000x32xf32, #tpu.memory_space<hbm>> -> memref<1000000x32xf32, #tpu.memory_space<hbm>>
      tpu.wait_indirect_dma semaphore(%arg10 : memref<!tpu.dma_semaphore, #tpu.memory_space<semaphore_mem>>) src(%dma_wait3A_313 : memref<1000000x32xf32, #tpu.memory_space<hbm>>) dst(%dma_wait3A_307 : memref<128x32xf32, #tpu.memory_space<vmem>>)
      %ge3A_314 = arith.constant 1 : i32
      %ge3A_315 = arith.cmpi sge, %add3A_289, %ge3A_314 : i32
      %convert_element_type3A_316 = arith.extui %ge3A_315 : i1 to i32
      %cond3A_317 = arith.constant 0 : i32
      %cond3A_318 = arith.cmpi ne, %convert_element_type3A_316, %cond3A_317 : i32
      scf.if %cond3A_318 {
        %dma_wait3A_398 = arith.constant 1 : i32
        %dma_wait3A_399 = arith.constant 1 : i32
        %dma_wait3A_400 = arith.constant 0 : i32
        %dma_wait3A_401 = arith.constant 0 : i32
        %dma_wait3A_402 = tpu.memref_slice %arg6[%dma_wait3A_398, %dma_wait3A_400, %dma_wait3A_401] : memref<4x256x32xf32, #tpu.memory_space<vmem>> -> memref<1x256x32xf32, #tpu.memory_space<vmem>>
        %dma_wait3A_403 = tpu.memref_squeeze %dma_wait3A_402 : memref<1x256x32xf32, #tpu.memory_space<vmem>> -> memref<256x32xf32, #tpu.memory_space<vmem>>
        %dma_wait3A_404 = arith.constant 0 : i32
        %dma_wait3A_405 = arith.constant 0 : i32
        %dma_wait3A_406 = tpu.memref_slice %arg7[%arg1, %dma_wait3A_399, %dma_wait3A_404, %dma_wait3A_405] : memref<16x4x256x32xf32, #tpu.memory_space<vmem_shared>> -> memref<1x1x256x32xf32, #tpu.memory_space<vmem_shared>>
        %dma_wait3A_407 = tpu.memref_squeeze %dma_wait3A_406 : memref<1x1x256x32xf32, #tpu.memory_space<vmem_shared>> -> memref<256x32xf32, #tpu.memory_space<vmem_shared>>
        %dma_wait3A_408 = arith.constant 0 : i32
        %dma_wait3A_409 = arith.constant 0 : i32
        %dma_wait3A_410 = tpu.memref_slice %arg7[%arg1, %dma_wait3A_399, %dma_wait3A_408, %dma_wait3A_409] : memref<16x4x256x32xf32, #tpu.memory_space<vmem_shared>> -> memref<1x1x256x32xf32, #tpu.memory_space<vmem_shared>>
        %dma_wait3A_411 = tpu.memref_squeeze %dma_wait3A_410 : memref<1x1x256x32xf32, #tpu.memory_space<vmem_shared>> -> memref<256x32xf32, #tpu.memory_space<vmem_shared>>
        %dma_wait3A_412 = arith.constant 0 : i32
        %dma_wait3A_413 = arith.constant 0 : i32
        %dma_wait3A_414 = tpu.memref_slice %arg6[%dma_wait3A_398, %dma_wait3A_412, %dma_wait3A_413] : memref<4x256x32xf32, #tpu.memory_space<vmem>> -> memref<1x256x32xf32, #tpu.memory_space<vmem>>
        %dma_wait3A_415 = tpu.memref_squeeze %dma_wait3A_414 : memref<1x256x32xf32, #tpu.memory_space<vmem>> -> memref<256x32xf32, #tpu.memory_space<vmem>>
        tpu.wait_dma2 semaphore(%arg13 : memref<!tpu.dma_semaphore, #tpu.memory_space<semaphore_mem>>) src(%dma_wait3A_415 : memref<256x32xf32, #tpu.memory_space<vmem>>) dst(%dma_wait3A_411 : memref<256x32xf32, #tpu.memory_space<vmem_shared>>)
        %sub3A = arith.constant 1 : i32
        %sub3A_416 = arith.subi %add3A_289, %sub3A : i32
        %dma_start3A_417 = arith.constant 1 : i32
        %dma_start3A_418 = arith.constant 0 : i32
        %dma_start3A_419 = arith.constant 0 : i32
        %dma_start3A_420 = tpu.memref_slice %arg4[%add3A, %sub3A_416, %dma_start3A_418, %dma_start3A_419] : memref<32x100x256x32xf32, #tpu.memory_space<hbm>> -> memref<1x1x256x32xf32, #tpu.memory_space<hbm>>
        %dma_start3A_421 = tpu.memref_squeeze %dma_start3A_420 : memref<1x1x256x32xf32, #tpu.memory_space<hbm>> -> memref<256x32xf32, #tpu.memory_space<hbm>>
        %dma_start3A_422 = arith.constant 0 : i32
        %dma_start3A_423 = arith.constant 0 : i32
        %dma_start3A_424 = tpu.memref_slice %arg7[%arg1, %dma_start3A_417, %dma_start3A_422, %dma_start3A_423] : memref<16x4x256x32xf32, #tpu.memory_space<vmem_shared>> -> memref<1x1x256x32xf32, #tpu.memory_space<vmem_shared>>
        %dma_start3A_425 = tpu.memref_squeeze %dma_start3A_424 : memref<1x1x256x32xf32, #tpu.memory_space<vmem_shared>> -> memref<256x32xf32, #tpu.memory_space<vmem_shared>>
        tpu.enqueue_dma source(%dma_start3A_425 : memref<256x32xf32, #tpu.memory_space<vmem_shared>>) target(%dma_start3A_421 : memref<256x32xf32, #tpu.memory_space<hbm>>) target_semaphore(%arg17 : memref<!tpu.dma_semaphore, #tpu.memory_space<semaphore_mem>>)
        %sub3A_426 = arith.constant 1 : i32
        %sub3A_427 = arith.subi %add3A_289, %sub3A_426 : i32
        %add3A_428 = arith.constant 4 : i32
        %add3A_429 = arith.addi %sub3A_427, %add3A_428 : i32
        %lt3A = arith.constant 100 : i32
        %lt3A_430 = arith.cmpi slt, %add3A_429, %lt3A : i32
        %convert_element_type3A_431 = arith.extui %lt3A_430 : i1 to i32
        %cond3A_432 = arith.constant 0 : i32
        %cond3A_433 = arith.cmpi ne, %convert_element_type3A_431, %cond3A_432 : i32
        scf.if %cond3A_433 {
          %sub3A_434 = arith.constant 1 : i32
          %sub3A_435 = arith.subi %add3A_289, %sub3A_434 : i32
          %add3A_436 = arith.constant 4 : i32
          %add3A_437 = arith.addi %sub3A_435, %add3A_436 : i32
          %dma_start3A_438 = arith.constant 0 : i32
          %dma_start3A_439 = arith.constant 1 : i32
          %dma_start3A_440 = arith.constant 0 : i32
          %dma_start3A_441 = arith.constant 0 : i32
          %dma_start3A_442 = tpu.memref_slice %arg6[%dma_start3A_439, %dma_start3A_440, %dma_start3A_441] : memref<4x256x32xf32, #tpu.memory_space<vmem>> -> memref<1x128x32xf32, #tpu.memory_space<vmem>>
          %dma_start3A_443 = tpu.memref_squeeze %dma_start3A_442 : memref<1x128x32xf32, #tpu.memory_space<vmem>> -> memref<128x32xf32, #tpu.memory_space<vmem>>
          %dma_start3A_444 = arith.constant 0 : i32
          %dma_start3A_445 = tpu.memref_slice %arg5[%add3A_437, %dma_start3A_438, %dma_start3A_444] : memref<100x2x128xi32, #tpu.memory_space<vmem>> -> memref<1x1x128xi32, #tpu.memory_space<vmem>>
          %dma_start3A_446 = tpu.memref_squeeze %dma_start3A_445 : memref<1x1x128xi32, #tpu.memory_space<vmem>> -> memref<128xi32, #tpu.memory_space<vmem>>
          %dma_start3A_447 = arith.constant 0 : i32
          %dma_start3A_448 = arith.constant 0 : i32
          %dma_start3A_449 = tpu.memref_slice %arg2[%dma_start3A_447, %dma_start3A_448] : memref<1000000x32xf32, #tpu.memory_space<hbm>> -> memref<1000000x32xf32, #tpu.memory_space<hbm>>
          tpu.enqueue_indirect_dma source(%dma_start3A_449 : memref<1000000x32xf32, #tpu.memory_space<hbm>>) target(%dma_start3A_443 : memref<128x32xf32, #tpu.memory_space<vmem>>) offsets(%dma_start3A_446 : memref<128xi32, #tpu.memory_space<vmem>>) semaphore(%arg9 : memref<!tpu.dma_semaphore, #tpu.memory_space<semaphore_mem>>)
          %dma_start3A_450 = arith.constant 1 : i32
          %dma_start3A_451 = arith.constant 1 : i32
          %dma_start3A_452 = arith.constant 128 : i32
          %dma_start3A_453 = arith.constant 0 : i32
          %dma_start3A_454 = tpu.memref_slice %arg6[%dma_start3A_451, %dma_start3A_452, %dma_start3A_453] : memref<4x256x32xf32, #tpu.memory_space<vmem>> -> memref<1x128x32xf32, #tpu.memory_space<vmem>>
          %dma_start3A_455 = tpu.memref_squeeze %dma_start3A_454 : memref<1x128x32xf32, #tpu.memory_space<vmem>> -> memref<128x32xf32, #tpu.memory_space<vmem>>
          %dma_start3A_456 = arith.constant 0 : i32
          %dma_start3A_457 = tpu.memref_slice %arg5[%add3A_437, %dma_start3A_450, %dma_start3A_456] : memref<100x2x128xi32, #tpu.memory_space<vmem>> -> memref<1x1x128xi32, #tpu.memory_space<vmem>>
          %dma_start3A_458 = tpu.memref_squeeze %dma_start3A_457 : memref<1x1x128xi32, #tpu.memory_space<vmem>> -> memref<128xi32, #tpu.memory_space<vmem>>
          %dma_start3A_459 = arith.constant 0 : i32
          %dma_start3A_460 = arith.constant 0 : i32
          %dma_start3A_461 = tpu.memref_slice %arg2[%dma_start3A_459, %dma_start3A_460] : memref<1000000x32xf32, #tpu.memory_space<hbm>> -> memref<1000000x32xf32, #tpu.memory_space<hbm>>
          tpu.enqueue_indirect_dma source(%dma_start3A_461 : memref<1000000x32xf32, #tpu.memory_space<hbm>>) target(%dma_start3A_455 : memref<128x32xf32, #tpu.memory_space<vmem>>) offsets(%dma_start3A_458 : memref<128xi32, #tpu.memory_space<vmem>>) semaphore(%arg9 : memref<!tpu.dma_semaphore, #tpu.memory_space<semaphore_mem>>)
        } else {
        }
      } else {
      }
      %ge3A_319 = arith.constant 4 : i32
      %ge3A_320 = arith.cmpi sge, %add3A_289, %ge3A_319 : i32
      %convert_element_type3A_321 = arith.extui %ge3A_320 : i1 to i32
      %cond3A_322 = arith.constant 0 : i32
      %cond3A_323 = arith.cmpi ne, %convert_element_type3A_321, %cond3A_322 : i32
      scf.if %cond3A_323 {
        %sub3A = arith.constant 4 : i32
        %sub3A_398 = arith.subi %add3A_289, %sub3A : i32
        %dma_wait3A_399 = arith.constant 2 : i32
        %dma_wait3A_400 = arith.constant 0 : i32
        %dma_wait3A_401 = arith.constant 0 : i32
        %dma_wait3A_402 = tpu.memref_slice %arg4[%add3A, %sub3A_398, %dma_wait3A_400, %dma_wait3A_401] : memref<32x100x256x32xf32, #tpu.memory_space<hbm>> -> memref<1x1x256x32xf32, #tpu.memory_space<hbm>>
        %dma_wait3A_403 = tpu.memref_squeeze %dma_wait3A_402 : memref<1x1x256x32xf32, #tpu.memory_space<hbm>> -> memref<256x32xf32, #tpu.memory_space<hbm>>
        %dma_wait3A_404 = arith.constant 0 : i32
        %dma_wait3A_405 = arith.constant 0 : i32
        %dma_wait3A_406 = tpu.memref_slice %arg7[%arg1, %dma_wait3A_399, %dma_wait3A_404, %dma_wait3A_405] : memref<16x4x256x32xf32, #tpu.memory_space<vmem_shared>> -> memref<1x1x256x32xf32, #tpu.memory_space<vmem_shared>>
        %dma_wait3A_407 = tpu.memref_squeeze %dma_wait3A_406 : memref<1x1x256x32xf32, #tpu.memory_space<vmem_shared>> -> memref<256x32xf32, #tpu.memory_space<vmem_shared>>
        tpu.wait_dma2 semaphore(%arg18 : memref<!tpu.dma_semaphore, #tpu.memory_space<semaphore_mem>>) src(%dma_wait3A_407 : memref<256x32xf32, #tpu.memory_space<vmem_shared>>) dst(%dma_wait3A_403 : memref<256x32xf32, #tpu.memory_space<hbm>>)
      } else {
      }
      %dma_start3A_324 = arith.constant 2 : i32
      %dma_start3A_325 = arith.constant 2 : i32
      %dma_start3A_326 = arith.constant 0 : i32
      %dma_start3A_327 = arith.constant 0 : i32
      %dma_start3A_328 = tpu.memref_slice %arg6[%dma_start3A_324, %dma_start3A_326, %dma_start3A_327] : memref<4x256x32xf32, #tpu.memory_space<vmem>> -> memref<1x256x32xf32, #tpu.memory_space<vmem>>
      %dma_start3A_329 = tpu.memref_squeeze %dma_start3A_328 : memref<1x256x32xf32, #tpu.memory_space<vmem>> -> memref<256x32xf32, #tpu.memory_space<vmem>>
      %dma_start3A_330 = arith.constant 0 : i32
      %dma_start3A_331 = arith.constant 0 : i32
      %dma_start3A_332 = tpu.memref_slice %arg7[%arg1, %dma_start3A_325, %dma_start3A_330, %dma_start3A_331] : memref<16x4x256x32xf32, #tpu.memory_space<vmem_shared>> -> memref<1x1x256x32xf32, #tpu.memory_space<vmem_shared>>
      %dma_start3A_333 = tpu.memref_squeeze %dma_start3A_332 : memref<1x1x256x32xf32, #tpu.memory_space<vmem_shared>> -> memref<256x32xf32, #tpu.memory_space<vmem_shared>>
      %dma_start3A_334 = arith.constant 0 : i32
      %dma_start3A_335 = arith.constant 0 : i32
      %dma_start3A_336 = tpu.memref_slice %arg7[%arg1, %dma_start3A_325, %dma_start3A_334, %dma_start3A_335] : memref<16x4x256x32xf32, #tpu.memory_space<vmem_shared>> -> memref<1x1x256x32xf32, #tpu.memory_space<vmem_shared>>
      %dma_start3A_337 = tpu.memref_squeeze %dma_start3A_336 : memref<1x1x256x32xf32, #tpu.memory_space<vmem_shared>> -> memref<256x32xf32, #tpu.memory_space<vmem_shared>>
      %dma_start3A_338 = arith.constant 0 : i32
      %dma_start3A_339 = arith.constant 0 : i32
      %dma_start3A_340 = tpu.memref_slice %arg6[%dma_start3A_324, %dma_start3A_338, %dma_start3A_339] : memref<4x256x32xf32, #tpu.memory_space<vmem>> -> memref<1x256x32xf32, #tpu.memory_space<vmem>>
      %dma_start3A_341 = tpu.memref_squeeze %dma_start3A_340 : memref<1x256x32xf32, #tpu.memory_space<vmem>> -> memref<256x32xf32, #tpu.memory_space<vmem>>
      tpu.enqueue_dma source(%dma_start3A_341 : memref<256x32xf32, #tpu.memory_space<vmem>>) target(%dma_start3A_337 : memref<256x32xf32, #tpu.memory_space<vmem_shared>>) target_semaphore(%arg14 : memref<!tpu.dma_semaphore, #tpu.memory_space<semaphore_mem>>)
      %mul3A_342 = arith.constant 4 : i32
      %mul3A_343 = arith.muli %mul3A_342, %scan3A_176 : i32
      %add3A_344 = arith.constant 3 : i32
      %add3A_345 = arith.addi %mul3A_343, %add3A_344 : i32
      %dma_wait3A_346 = arith.constant 0 : i32
      %dma_wait3A_347 = arith.constant 3 : i32
      %dma_wait3A_348 = arith.constant 0 : i32
      %dma_wait3A_349 = arith.constant 0 : i32
      %dma_wait3A_350 = tpu.memref_slice %arg6[%dma_wait3A_347, %dma_wait3A_348, %dma_wait3A_349] : memref<4x256x32xf32, #tpu.memory_space<vmem>> -> memref<1x128x32xf32, #tpu.memory_space<vmem>>
      %dma_wait3A_351 = tpu.memref_squeeze %dma_wait3A_350 : memref<1x128x32xf32, #tpu.memory_space<vmem>> -> memref<128x32xf32, #tpu.memory_space<vmem>>
      %dma_wait3A_352 = arith.constant 0 : i32
      %dma_wait3A_353 = tpu.memref_slice %arg5[%add3A_345, %dma_wait3A_346, %dma_wait3A_352] : memref<100x2x128xi32, #tpu.memory_space<vmem>> -> memref<1x1x128xi32, #tpu.memory_space<vmem>>
      %dma_wait3A_354 = tpu.memref_squeeze %dma_wait3A_353 : memref<1x1x128xi32, #tpu.memory_space<vmem>> -> memref<128xi32, #tpu.memory_space<vmem>>
      %dma_wait3A_355 = arith.constant 0 : i32
      %dma_wait3A_356 = arith.constant 0 : i32
      %dma_wait3A_357 = tpu.memref_slice %arg2[%dma_wait3A_355, %dma_wait3A_356] : memref<1000000x32xf32, #tpu.memory_space<hbm>> -> memref<1000000x32xf32, #tpu.memory_space<hbm>>
      tpu.wait_indirect_dma semaphore(%arg11 : memref<!tpu.dma_semaphore, #tpu.memory_space<semaphore_mem>>) src(%dma_wait3A_357 : memref<1000000x32xf32, #tpu.memory_space<hbm>>) dst(%dma_wait3A_351 : memref<128x32xf32, #tpu.memory_space<vmem>>)
      %dma_wait3A_358 = arith.constant 1 : i32
      %dma_wait3A_359 = arith.constant 3 : i32
      %dma_wait3A_360 = arith.constant 128 : i32
      %dma_wait3A_361 = arith.constant 0 : i32
      %dma_wait3A_362 = tpu.memref_slice %arg6[%dma_wait3A_359, %dma_wait3A_360, %dma_wait3A_361] : memref<4x256x32xf32, #tpu.memory_space<vmem>> -> memref<1x128x32xf32, #tpu.memory_space<vmem>>
      %dma_wait3A_363 = tpu.memref_squeeze %dma_wait3A_362 : memref<1x128x32xf32, #tpu.memory_space<vmem>> -> memref<128x32xf32, #tpu.memory_space<vmem>>
      %dma_wait3A_364 = arith.constant 0 : i32
      %dma_wait3A_365 = tpu.memref_slice %arg5[%add3A_345, %dma_wait3A_358, %dma_wait3A_364] : memref<100x2x128xi32, #tpu.memory_space<vmem>> -> memref<1x1x128xi32, #tpu.memory_space<vmem>>
      %dma_wait3A_366 = tpu.memref_squeeze %dma_wait3A_365 : memref<1x1x128xi32, #tpu.memory_space<vmem>> -> memref<128xi32, #tpu.memory_space<vmem>>
      %dma_wait3A_367 = arith.constant 0 : i32
      %dma_wait3A_368 = arith.constant 0 : i32
      %dma_wait3A_369 = tpu.memref_slice %arg2[%dma_wait3A_367, %dma_wait3A_368] : memref<1000000x32xf32, #tpu.memory_space<hbm>> -> memref<1000000x32xf32, #tpu.memory_space<hbm>>
      tpu.wait_indirect_dma semaphore(%arg11 : memref<!tpu.dma_semaphore, #tpu.memory_space<semaphore_mem>>) src(%dma_wait3A_369 : memref<1000000x32xf32, #tpu.memory_space<hbm>>) dst(%dma_wait3A_363 : memref<128x32xf32, #tpu.memory_space<vmem>>)
      %ge3A_370 = arith.constant 1 : i32
      %ge3A_371 = arith.cmpi sge, %add3A_345, %ge3A_370 : i32
      %convert_element_type3A_372 = arith.extui %ge3A_371 : i1 to i32
      %cond3A_373 = arith.constant 0 : i32
      %cond3A_374 = arith.cmpi ne, %convert_element_type3A_372, %cond3A_373 : i32
      scf.if %cond3A_374 {
        %dma_wait3A_398 = arith.constant 2 : i32
        %dma_wait3A_399 = arith.constant 2 : i32
        %dma_wait3A_400 = arith.constant 0 : i32
        %dma_wait3A_401 = arith.constant 0 : i32
        %dma_wait3A_402 = tpu.memref_slice %arg6[%dma_wait3A_398, %dma_wait3A_400, %dma_wait3A_401] : memref<4x256x32xf32, #tpu.memory_space<vmem>> -> memref<1x256x32xf32, #tpu.memory_space<vmem>>
        %dma_wait3A_403 = tpu.memref_squeeze %dma_wait3A_402 : memref<1x256x32xf32, #tpu.memory_space<vmem>> -> memref<256x32xf32, #tpu.memory_space<vmem>>
        %dma_wait3A_404 = arith.constant 0 : i32
        %dma_wait3A_405 = arith.constant 0 : i32
        %dma_wait3A_406 = tpu.memref_slice %arg7[%arg1, %dma_wait3A_399, %dma_wait3A_404, %dma_wait3A_405] : memref<16x4x256x32xf32, #tpu.memory_space<vmem_shared>> -> memref<1x1x256x32xf32, #tpu.memory_space<vmem_shared>>
        %dma_wait3A_407 = tpu.memref_squeeze %dma_wait3A_406 : memref<1x1x256x32xf32, #tpu.memory_space<vmem_shared>> -> memref<256x32xf32, #tpu.memory_space<vmem_shared>>
        %dma_wait3A_408 = arith.constant 0 : i32
        %dma_wait3A_409 = arith.constant 0 : i32
        %dma_wait3A_410 = tpu.memref_slice %arg7[%arg1, %dma_wait3A_399, %dma_wait3A_408, %dma_wait3A_409] : memref<16x4x256x32xf32, #tpu.memory_space<vmem_shared>> -> memref<1x1x256x32xf32, #tpu.memory_space<vmem_shared>>
        %dma_wait3A_411 = tpu.memref_squeeze %dma_wait3A_410 : memref<1x1x256x32xf32, #tpu.memory_space<vmem_shared>> -> memref<256x32xf32, #tpu.memory_space<vmem_shared>>
        %dma_wait3A_412 = arith.constant 0 : i32
        %dma_wait3A_413 = arith.constant 0 : i32
        %dma_wait3A_414 = tpu.memref_slice %arg6[%dma_wait3A_398, %dma_wait3A_412, %dma_wait3A_413] : memref<4x256x32xf32, #tpu.memory_space<vmem>> -> memref<1x256x32xf32, #tpu.memory_space<vmem>>
        %dma_wait3A_415 = tpu.memref_squeeze %dma_wait3A_414 : memref<1x256x32xf32, #tpu.memory_space<vmem>> -> memref<256x32xf32, #tpu.memory_space<vmem>>
        tpu.wait_dma2 semaphore(%arg14 : memref<!tpu.dma_semaphore, #tpu.memory_space<semaphore_mem>>) src(%dma_wait3A_415 : memref<256x32xf32, #tpu.memory_space<vmem>>) dst(%dma_wait3A_411 : memref<256x32xf32, #tpu.memory_space<vmem_shared>>)
        %sub3A = arith.constant 1 : i32
        %sub3A_416 = arith.subi %add3A_345, %sub3A : i32
        %dma_start3A_417 = arith.constant 2 : i32
        %dma_start3A_418 = arith.constant 0 : i32
        %dma_start3A_419 = arith.constant 0 : i32
        %dma_start3A_420 = tpu.memref_slice %arg4[%add3A, %sub3A_416, %dma_start3A_418, %dma_start3A_419] : memref<32x100x256x32xf32, #tpu.memory_space<hbm>> -> memref<1x1x256x32xf32, #tpu.memory_space<hbm>>
        %dma_start3A_421 = tpu.memref_squeeze %dma_start3A_420 : memref<1x1x256x32xf32, #tpu.memory_space<hbm>> -> memref<256x32xf32, #tpu.memory_space<hbm>>
        %dma_start3A_422 = arith.constant 0 : i32
        %dma_start3A_423 = arith.constant 0 : i32
        %dma_start3A_424 = tpu.memref_slice %arg7[%arg1, %dma_start3A_417, %dma_start3A_422, %dma_start3A_423] : memref<16x4x256x32xf32, #tpu.memory_space<vmem_shared>> -> memref<1x1x256x32xf32, #tpu.memory_space<vmem_shared>>
        %dma_start3A_425 = tpu.memref_squeeze %dma_start3A_424 : memref<1x1x256x32xf32, #tpu.memory_space<vmem_shared>> -> memref<256x32xf32, #tpu.memory_space<vmem_shared>>
        tpu.enqueue_dma source(%dma_start3A_425 : memref<256x32xf32, #tpu.memory_space<vmem_shared>>) target(%dma_start3A_421 : memref<256x32xf32, #tpu.memory_space<hbm>>) target_semaphore(%arg18 : memref<!tpu.dma_semaphore, #tpu.memory_space<semaphore_mem>>)
        %sub3A_426 = arith.constant 1 : i32
        %sub3A_427 = arith.subi %add3A_345, %sub3A_426 : i32
        %add3A_428 = arith.constant 4 : i32
        %add3A_429 = arith.addi %sub3A_427, %add3A_428 : i32
        %lt3A = arith.constant 100 : i32
        %lt3A_430 = arith.cmpi slt, %add3A_429, %lt3A : i32
        %convert_element_type3A_431 = arith.extui %lt3A_430 : i1 to i32
        %cond3A_432 = arith.constant 0 : i32
        %cond3A_433 = arith.cmpi ne, %convert_element_type3A_431, %cond3A_432 : i32
        scf.if %cond3A_433 {
          %sub3A_434 = arith.constant 1 : i32
          %sub3A_435 = arith.subi %add3A_345, %sub3A_434 : i32
          %add3A_436 = arith.constant 4 : i32
          %add3A_437 = arith.addi %sub3A_435, %add3A_436 : i32
          %dma_start3A_438 = arith.constant 0 : i32
          %dma_start3A_439 = arith.constant 2 : i32
          %dma_start3A_440 = arith.constant 0 : i32
          %dma_start3A_441 = arith.constant 0 : i32
          %dma_start3A_442 = tpu.memref_slice %arg6[%dma_start3A_439, %dma_start3A_440, %dma_start3A_441] : memref<4x256x32xf32, #tpu.memory_space<vmem>> -> memref<1x128x32xf32, #tpu.memory_space<vmem>>
          %dma_start3A_443 = tpu.memref_squeeze %dma_start3A_442 : memref<1x128x32xf32, #tpu.memory_space<vmem>> -> memref<128x32xf32, #tpu.memory_space<vmem>>
          %dma_start3A_444 = arith.constant 0 : i32
          %dma_start3A_445 = tpu.memref_slice %arg5[%add3A_437, %dma_start3A_438, %dma_start3A_444] : memref<100x2x128xi32, #tpu.memory_space<vmem>> -> memref<1x1x128xi32, #tpu.memory_space<vmem>>
          %dma_start3A_446 = tpu.memref_squeeze %dma_start3A_445 : memref<1x1x128xi32, #tpu.memory_space<vmem>> -> memref<128xi32, #tpu.memory_space<vmem>>
          %dma_start3A_447 = arith.constant 0 : i32
          %dma_start3A_448 = arith.constant 0 : i32
          %dma_start3A_449 = tpu.memref_slice %arg2[%dma_start3A_447, %dma_start3A_448] : memref<1000000x32xf32, #tpu.memory_space<hbm>> -> memref<1000000x32xf32, #tpu.memory_space<hbm>>
          tpu.enqueue_indirect_dma source(%dma_start3A_449 : memref<1000000x32xf32, #tpu.memory_space<hbm>>) target(%dma_start3A_443 : memref<128x32xf32, #tpu.memory_space<vmem>>) offsets(%dma_start3A_446 : memref<128xi32, #tpu.memory_space<vmem>>) semaphore(%arg10 : memref<!tpu.dma_semaphore, #tpu.memory_space<semaphore_mem>>)
          %dma_start3A_450 = arith.constant 1 : i32
          %dma_start3A_451 = arith.constant 2 : i32
          %dma_start3A_452 = arith.constant 128 : i32
          %dma_start3A_453 = arith.constant 0 : i32
          %dma_start3A_454 = tpu.memref_slice %arg6[%dma_start3A_451, %dma_start3A_452, %dma_start3A_453] : memref<4x256x32xf32, #tpu.memory_space<vmem>> -> memref<1x128x32xf32, #tpu.memory_space<vmem>>
          %dma_start3A_455 = tpu.memref_squeeze %dma_start3A_454 : memref<1x128x32xf32, #tpu.memory_space<vmem>> -> memref<128x32xf32, #tpu.memory_space<vmem>>
          %dma_start3A_456 = arith.constant 0 : i32
          %dma_start3A_457 = tpu.memref_slice %arg5[%add3A_437, %dma_start3A_450, %dma_start3A_456] : memref<100x2x128xi32, #tpu.memory_space<vmem>> -> memref<1x1x128xi32, #tpu.memory_space<vmem>>
          %dma_start3A_458 = tpu.memref_squeeze %dma_start3A_457 : memref<1x1x128xi32, #tpu.memory_space<vmem>> -> memref<128xi32, #tpu.memory_space<vmem>>
          %dma_start3A_459 = arith.constant 0 : i32
          %dma_start3A_460 = arith.constant 0 : i32
          %dma_start3A_461 = tpu.memref_slice %arg2[%dma_start3A_459, %dma_start3A_460] : memref<1000000x32xf32, #tpu.memory_space<hbm>> -> memref<1000000x32xf32, #tpu.memory_space<hbm>>
          tpu.enqueue_indirect_dma source(%dma_start3A_461 : memref<1000000x32xf32, #tpu.memory_space<hbm>>) target(%dma_start3A_455 : memref<128x32xf32, #tpu.memory_space<vmem>>) offsets(%dma_start3A_458 : memref<128xi32, #tpu.memory_space<vmem>>) semaphore(%arg10 : memref<!tpu.dma_semaphore, #tpu.memory_space<semaphore_mem>>)
        } else {
        }
      } else {
      }
      %ge3A_375 = arith.constant 4 : i32
      %ge3A_376 = arith.cmpi sge, %add3A_345, %ge3A_375 : i32
      %convert_element_type3A_377 = arith.extui %ge3A_376 : i1 to i32
      %cond3A_378 = arith.constant 0 : i32
      %cond3A_379 = arith.cmpi ne, %convert_element_type3A_377, %cond3A_378 : i32
      scf.if %cond3A_379 {
        %sub3A = arith.constant 4 : i32
        %sub3A_398 = arith.subi %add3A_345, %sub3A : i32
        %dma_wait3A_399 = arith.constant 3 : i32
        %dma_wait3A_400 = arith.constant 0 : i32
        %dma_wait3A_401 = arith.constant 0 : i32
        %dma_wait3A_402 = tpu.memref_slice %arg4[%add3A, %sub3A_398, %dma_wait3A_400, %dma_wait3A_401] : memref<32x100x256x32xf32, #tpu.memory_space<hbm>> -> memref<1x1x256x32xf32, #tpu.memory_space<hbm>>
        %dma_wait3A_403 = tpu.memref_squeeze %dma_wait3A_402 : memref<1x1x256x32xf32, #tpu.memory_space<hbm>> -> memref<256x32xf32, #tpu.memory_space<hbm>>
        %dma_wait3A_404 = arith.constant 0 : i32
        %dma_wait3A_405 = arith.constant 0 : i32
        %dma_wait3A_406 = tpu.memref_slice %arg7[%arg1, %dma_wait3A_399, %dma_wait3A_404, %dma_wait3A_405] : memref<16x4x256x32xf32, #tpu.memory_space<vmem_shared>> -> memref<1x1x256x32xf32, #tpu.memory_space<vmem_shared>>
        %dma_wait3A_407 = tpu.memref_squeeze %dma_wait3A_406 : memref<1x1x256x32xf32, #tpu.memory_space<vmem_shared>> -> memref<256x32xf32, #tpu.memory_space<vmem_shared>>
        tpu.wait_dma2 semaphore(%arg19 : memref<!tpu.dma_semaphore, #tpu.memory_space<semaphore_mem>>) src(%dma_wait3A_407 : memref<256x32xf32, #tpu.memory_space<vmem_shared>>) dst(%dma_wait3A_403 : memref<256x32xf32, #tpu.memory_space<hbm>>)
      } else {
      }
      %dma_start3A_380 = arith.constant 3 : i32
      %dma_start3A_381 = arith.constant 3 : i32
      %dma_start3A_382 = arith.constant 0 : i32
      %dma_start3A_383 = arith.constant 0 : i32
      %dma_start3A_384 = tpu.memref_slice %arg6[%dma_start3A_380, %dma_start3A_382, %dma_start3A_383] : memref<4x256x32xf32, #tpu.memory_space<vmem>> -> memref<1x256x32xf32, #tpu.memory_space<vmem>>
      %dma_start3A_385 = tpu.memref_squeeze %dma_start3A_384 : memref<1x256x32xf32, #tpu.memory_space<vmem>> -> memref<256x32xf32, #tpu.memory_space<vmem>>
      %dma_start3A_386 = arith.constant 0 : i32
      %dma_start3A_387 = arith.constant 0 : i32
      %dma_start3A_388 = tpu.memref_slice %arg7[%arg1, %dma_start3A_381, %dma_start3A_386, %dma_start3A_387] : memref<16x4x256x32xf32, #tpu.memory_space<vmem_shared>> -> memref<1x1x256x32xf32, #tpu.memory_space<vmem_shared>>
      %dma_start3A_389 = tpu.memref_squeeze %dma_start3A_388 : memref<1x1x256x32xf32, #tpu.memory_space<vmem_shared>> -> memref<256x32xf32, #tpu.memory_space<vmem_shared>>
      %dma_start3A_390 = arith.constant 0 : i32
      %dma_start3A_391 = arith.constant 0 : i32
      %dma_start3A_392 = tpu.memref_slice %arg7[%arg1, %dma_start3A_381, %dma_start3A_390, %dma_start3A_391] : memref<16x4x256x32xf32, #tpu.memory_space<vmem_shared>> -> memref<1x1x256x32xf32, #tpu.memory_space<vmem_shared>>
      %dma_start3A_393 = tpu.memref_squeeze %dma_start3A_392 : memref<1x1x256x32xf32, #tpu.memory_space<vmem_shared>> -> memref<256x32xf32, #tpu.memory_space<vmem_shared>>
      %dma_start3A_394 = arith.constant 0 : i32
      %dma_start3A_395 = arith.constant 0 : i32
      %dma_start3A_396 = tpu.memref_slice %arg6[%dma_start3A_380, %dma_start3A_394, %dma_start3A_395] : memref<4x256x32xf32, #tpu.memory_space<vmem>> -> memref<1x256x32xf32, #tpu.memory_space<vmem>>
      %dma_start3A_397 = tpu.memref_squeeze %dma_start3A_396 : memref<1x256x32xf32, #tpu.memory_space<vmem>> -> memref<256x32xf32, #tpu.memory_space<vmem>>
      tpu.enqueue_dma source(%dma_start3A_397 : memref<256x32xf32, #tpu.memory_space<vmem>>) target(%dma_start3A_393 : memref<256x32xf32, #tpu.memory_space<vmem_shared>>) target_semaphore(%arg15 : memref<!tpu.dma_semaphore, #tpu.memory_space<semaphore_mem>>)
    }
    %scan3A_108 = arith.constant 25 : i32
    %dma_wait3A = arith.constant 3 : i32
    %dma_wait3A_109 = arith.constant 3 : i32
    %dma_wait3A_110 = arith.constant 0 : i32
    %dma_wait3A_111 = arith.constant 0 : i32
    %dma_wait3A_112 = tpu.memref_slice %arg6[%dma_wait3A, %dma_wait3A_110, %dma_wait3A_111] : memref<4x256x32xf32, #tpu.memory_space<vmem>> -> memref<1x256x32xf32, #tpu.memory_space<vmem>>
    %dma_wait3A_113 = tpu.memref_squeeze %dma_wait3A_112 : memref<1x256x32xf32, #tpu.memory_space<vmem>> -> memref<256x32xf32, #tpu.memory_space<vmem>>
    %dma_wait3A_114 = arith.constant 0 : i32
    %dma_wait3A_115 = arith.constant 0 : i32
    %dma_wait3A_116 = tpu.memref_slice %arg7[%arg1, %dma_wait3A_109, %dma_wait3A_114, %dma_wait3A_115] : memref<16x4x256x32xf32, #tpu.memory_space<vmem_shared>> -> memref<1x1x256x32xf32, #tpu.memory_space<vmem_shared>>
    %dma_wait3A_117 = tpu.memref_squeeze %dma_wait3A_116 : memref<1x1x256x32xf32, #tpu.memory_space<vmem_shared>> -> memref<256x32xf32, #tpu.memory_space<vmem_shared>>
    %dma_wait3A_118 = arith.constant 0 : i32
    %dma_wait3A_119 = arith.constant 0 : i32
    %dma_wait3A_120 = tpu.memref_slice %arg7[%arg1, %dma_wait3A_109, %dma_wait3A_118, %dma_wait3A_119] : memref<16x4x256x32xf32, #tpu.memory_space<vmem_shared>> -> memref<1x1x256x32xf32, #tpu.memory_space<vmem_shared>>
    %dma_wait3A_121 = tpu.memref_squeeze %dma_wait3A_120 : memref<1x1x256x32xf32, #tpu.memory_space<vmem_shared>> -> memref<256x32xf32, #tpu.memory_space<vmem_shared>>
    %dma_wait3A_122 = arith.constant 0 : i32
    %dma_wait3A_123 = arith.constant 0 : i32
    %dma_wait3A_124 = tpu.memref_slice %arg6[%dma_wait3A, %dma_wait3A_122, %dma_wait3A_123] : memref<4x256x32xf32, #tpu.memory_space<vmem>> -> memref<1x256x32xf32, #tpu.memory_space<vmem>>
    %dma_wait3A_125 = tpu.memref_squeeze %dma_wait3A_124 : memref<1x256x32xf32, #tpu.memory_space<vmem>> -> memref<256x32xf32, #tpu.memory_space<vmem>>
    tpu.wait_dma2 semaphore(%arg15 : memref<!tpu.dma_semaphore, #tpu.memory_space<semaphore_mem>>) src(%dma_wait3A_125 : memref<256x32xf32, #tpu.memory_space<vmem>>) dst(%dma_wait3A_121 : memref<256x32xf32, #tpu.memory_space<vmem_shared>>)
    %dma_start3A_126 = arith.constant 3 : i32
    %dma_start3A_127 = arith.constant 99 : i32
    %dma_start3A_128 = arith.constant 0 : i32
    %dma_start3A_129 = arith.constant 0 : i32
    %dma_start3A_130 = tpu.memref_slice %arg4[%add3A, %dma_start3A_127, %dma_start3A_128, %dma_start3A_129] : memref<32x100x256x32xf32, #tpu.memory_space<hbm>> -> memref<1x1x256x32xf32, #tpu.memory_space<hbm>>
    %dma_start3A_131 = tpu.memref_squeeze %dma_start3A_130 : memref<1x1x256x32xf32, #tpu.memory_space<hbm>> -> memref<256x32xf32, #tpu.memory_space<hbm>>
    %dma_start3A_132 = arith.constant 0 : i32
    %dma_start3A_133 = arith.constant 0 : i32
    %dma_start3A_134 = tpu.memref_slice %arg7[%arg1, %dma_start3A_126, %dma_start3A_132, %dma_start3A_133] : memref<16x4x256x32xf32, #tpu.memory_space<vmem_shared>> -> memref<1x1x256x32xf32, #tpu.memory_space<vmem_shared>>
    %dma_start3A_135 = tpu.memref_squeeze %dma_start3A_134 : memref<1x1x256x32xf32, #tpu.memory_space<vmem_shared>> -> memref<256x32xf32, #tpu.memory_space<vmem_shared>>
    tpu.enqueue_dma source(%dma_start3A_135 : memref<256x32xf32, #tpu.memory_space<vmem_shared>>) target(%dma_start3A_131 : memref<256x32xf32, #tpu.memory_space<hbm>>) target_semaphore(%arg19 : memref<!tpu.dma_semaphore, #tpu.memory_space<semaphore_mem>>)
    %dma_wait3A_136 = arith.constant 0 : i32
    %dma_wait3A_137 = arith.constant 96 : i32
    %dma_wait3A_138 = arith.constant 0 : i32
    %dma_wait3A_139 = arith.constant 0 : i32
    %dma_wait3A_140 = tpu.memref_slice %arg4[%add3A, %dma_wait3A_137, %dma_wait3A_138, %dma_wait3A_139] : memref<32x100x256x32xf32, #tpu.memory_space<hbm>> -> memref<1x1x256x32xf32, #tpu.memory_space<hbm>>
    %dma_wait3A_141 = tpu.memref_squeeze %dma_wait3A_140 : memref<1x1x256x32xf32, #tpu.memory_space<hbm>> -> memref<256x32xf32, #tpu.memory_space<hbm>>
    %dma_wait3A_142 = arith.constant 0 : i32
    %dma_wait3A_143 = arith.constant 0 : i32
    %dma_wait3A_144 = tpu.memref_slice %arg7[%arg1, %dma_wait3A_136, %dma_wait3A_142, %dma_wait3A_143] : memref<16x4x256x32xf32, #tpu.memory_space<vmem_shared>> -> memref<1x1x256x32xf32, #tpu.memory_space<vmem_shared>>
    %dma_wait3A_145 = tpu.memref_squeeze %dma_wait3A_144 : memref<1x1x256x32xf32, #tpu.memory_space<vmem_shared>> -> memref<256x32xf32, #tpu.memory_space<vmem_shared>>
    tpu.wait_dma2 semaphore(%arg16 : memref<!tpu.dma_semaphore, #tpu.memory_space<semaphore_mem>>) src(%dma_wait3A_145 : memref<256x32xf32, #tpu.memory_space<vmem_shared>>) dst(%dma_wait3A_141 : memref<256x32xf32, #tpu.memory_space<hbm>>)
    %dma_wait3A_146 = arith.constant 1 : i32
    %dma_wait3A_147 = arith.constant 97 : i32
    %dma_wait3A_148 = arith.constant 0 : i32
    %dma_wait3A_149 = arith.constant 0 : i32
    %dma_wait3A_150 = tpu.memref_slice %arg4[%add3A, %dma_wait3A_147, %dma_wait3A_148, %dma_wait3A_149] : memref<32x100x256x32xf32, #tpu.memory_space<hbm>> -> memref<1x1x256x32xf32, #tpu.memory_space<hbm>>
    %dma_wait3A_151 = tpu.memref_squeeze %dma_wait3A_150 : memref<1x1x256x32xf32, #tpu.memory_space<hbm>> -> memref<256x32xf32, #tpu.memory_space<hbm>>
    %dma_wait3A_152 = arith.constant 0 : i32
    %dma_wait3A_153 = arith.constant 0 : i32
    %dma_wait3A_154 = tpu.memref_slice %arg7[%arg1, %dma_wait3A_146, %dma_wait3A_152, %dma_wait3A_153] : memref<16x4x256x32xf32, #tpu.memory_space<vmem_shared>> -> memref<1x1x256x32xf32, #tpu.memory_space<vmem_shared>>
    %dma_wait3A_155 = tpu.memref_squeeze %dma_wait3A_154 : memref<1x1x256x32xf32, #tpu.memory_space<vmem_shared>> -> memref<256x32xf32, #tpu.memory_space<vmem_shared>>
    tpu.wait_dma2 semaphore(%arg17 : memref<!tpu.dma_semaphore, #tpu.memory_space<semaphore_mem>>) src(%dma_wait3A_155 : memref<256x32xf32, #tpu.memory_space<vmem_shared>>) dst(%dma_wait3A_151 : memref<256x32xf32, #tpu.memory_space<hbm>>)
    %dma_wait3A_156 = arith.constant 2 : i32
    %dma_wait3A_157 = arith.constant 98 : i32
    %dma_wait3A_158 = arith.constant 0 : i32
    %dma_wait3A_159 = arith.constant 0 : i32
    %dma_wait3A_160 = tpu.memref_slice %arg4[%add3A, %dma_wait3A_157, %dma_wait3A_158, %dma_wait3A_159] : memref<32x100x256x32xf32, #tpu.memory_space<hbm>> -> memref<1x1x256x32xf32, #tpu.memory_space<hbm>>
    %dma_wait3A_161 = tpu.memref_squeeze %dma_wait3A_160 : memref<1x1x256x32xf32, #tpu.memory_space<hbm>> -> memref<256x32xf32, #tpu.memory_space<hbm>>
    %dma_wait3A_162 = arith.constant 0 : i32
    %dma_wait3A_163 = arith.constant 0 : i32
    %dma_wait3A_164 = tpu.memref_slice %arg7[%arg1, %dma_wait3A_156, %dma_wait3A_162, %dma_wait3A_163] : memref<16x4x256x32xf32, #tpu.memory_space<vmem_shared>> -> memref<1x1x256x32xf32, #tpu.memory_space<vmem_shared>>
    %dma_wait3A_165 = tpu.memref_squeeze %dma_wait3A_164 : memref<1x1x256x32xf32, #tpu.memory_space<vmem_shared>> -> memref<256x32xf32, #tpu.memory_space<vmem_shared>>
    tpu.wait_dma2 semaphore(%arg18 : memref<!tpu.dma_semaphore, #tpu.memory_space<semaphore_mem>>) src(%dma_wait3A_165 : memref<256x32xf32, #tpu.memory_space<vmem_shared>>) dst(%dma_wait3A_161 : memref<256x32xf32, #tpu.memory_space<hbm>>)
    %dma_wait3A_166 = arith.constant 3 : i32
    %dma_wait3A_167 = arith.constant 99 : i32
    %dma_wait3A_168 = arith.constant 0 : i32
    %dma_wait3A_169 = arith.constant 0 : i32
    %dma_wait3A_170 = tpu.memref_slice %arg4[%add3A, %dma_wait3A_167, %dma_wait3A_168, %dma_wait3A_169] : memref<32x100x256x32xf32, #tpu.memory_space<hbm>> -> memref<1x1x256x32xf32, #tpu.memory_space<hbm>>
    %dma_wait3A_171 = tpu.memref_squeeze %dma_wait3A_170 : memref<1x1x256x32xf32, #tpu.memory_space<hbm>> -> memref<256x32xf32, #tpu.memory_space<hbm>>
    %dma_wait3A_172 = arith.constant 0 : i32
    %dma_wait3A_173 = arith.constant 0 : i32
    %dma_wait3A_174 = tpu.memref_slice %arg7[%arg1, %dma_wait3A_166, %dma_wait3A_172, %dma_wait3A_173] : memref<16x4x256x32xf32, #tpu.memory_space<vmem_shared>> -> memref<1x1x256x32xf32, #tpu.memory_space<vmem_shared>>
    %dma_wait3A_175 = tpu.memref_squeeze %dma_wait3A_174 : memref<1x1x256x32xf32, #tpu.memory_space<vmem_shared>> -> memref<256x32xf32, #tpu.memory_space<vmem_shared>>
    tpu.wait_dma2 semaphore(%arg19 : memref<!tpu.dma_semaphore, #tpu.memory_space<semaphore_mem>>) src(%dma_wait3A_175 : memref<256x32xf32, #tpu.memory_space<vmem_shared>>) dst(%dma_wait3A_171 : memref<256x32xf32, #tpu.memory_space<hbm>>)
    return
  }
}

</mosaic_0001>

<sc_bundles>
// kernel: kernel.3.cloned.1.call-start
scs
__scs_entry_jumppad:
0x0: {  	(pc) =	sbr.rel $0x88, $3  }
0x1: {  	(tag) =	ssettag $0x0;
	lr =	simm.s32 $0x1  }
0x2: {  	[smem:$0x3F9F] =	sst lr;
	_ =	strace $0xD0000000  }
0x3: {  	_ = 	snop  }
0x4: {  	_ = 	snop  }
0x5: {  	_ = 	snop  }
0x6: {  	_ = 	snop  }
0x7: {  	_ = 	snop  }
__scs_overlays_trampoline_lowered:
0x8: {  	[smem:$0x3FAE] =	sst s0  }
0x9: {  	[smem:$0x3FAF] =	sst s1  }
0xa: {  	[smem:$0x3FB0] =	sst s2  }
0xb: {  	[smem:$0x3FB1] =	sst s3  }
0xc: {  	[smem:$0x3FB2] =	sst s4  }
0xd: {  	[smem:$0x3FB3] =	sst s5  }
0xe: {  	[smem:$0x3FB4] =	sst s6  }
0xf: {  	[smem:$0x3FB5] =	sst s7  }
0x10: {  	[smem:$0x3FB6] =	sst s8  }
0x11: {  	[smem:$0x3FB7] =	sst s9;
	s0 =	simm.s32 @!p0 $0x0  }
0x12: {  	s1 =	sld [smem:$0x3F9D];
	s0 =	simm.s32 @p0 $0x1  }
0x13: {  	[smem:$0x3FB8] =	sst s0;
	s0 =	simm.s32 @!p1 $0x0  }
0x14: {  	s2 =	sld [smem:$0x3F9C];
	s0 =	simm.s32 @p1 $0x1  }
0x15: {  	[smem:$0x3FB9] =	sst s0;
	s0 =	simm.s32 @!p2 $0x0  }
0x16: {  	s3 =	sld [smem:$0x3FDB];
	s0 =	simm.s32 @p2 $0x1  }
0x17: {  	s4 =	simm.s32 $0x1BF5;
	[smem:$0x3FBB] =	sst s0  }
0x18: {  	s0 =	sld [smem:$0x3F9E];
	_ =	swait.ge [sflag:s4], $0x0  }
0x19: {  	s7 =	sld [smem:$0x3F9F]  }
0x1a: {  	s8 =	sadd.s32 $0xFFFFE003, lr  }
0x1b: {  	s9 =	sadd.s32 $0xFFFFFEF7, lr;
	s5 =	simm.s32 $0xFFFFFFFF;
	p2 =	slt.u32 s8, $0xFFFFF086  }
0x1c: {  	p1 =	slt.u32 s9, $0xF7A;
	s5 =	simm.s32 @!p2 $0x0  }
0x1d: {  	s5 =	simm.s32 @p1 $0x1;
	p0 =	seq.s32 s7, s2  }
0x1e: {  	s7 =	smul.u32 @!p0 $0xF7A, s2;
	p2 =	seq.s32 @!p0 s5, $0x0  }
0x1f: {  	s9 =	smul.u32 $0xF7A, s1;
	s8 =	simm.s32 @!p0 $0x1BF5;
	p2 =	por !p2, p0  }
0x20: {  	[sflag:s8] =	ssyncset.s32 @!p0 $0xFFFFF086;
	s6 =	sadd.s32 @!p0 s3, s7;
	s7 =	simm.s32 @!p0 $0x108  }
0x21: {  	s3 =	sadd.s32 s3, s9;
	s6 =	sadd.s32 @!p0 $0x88, s6;
	s7 =	simm.s32 @p2 $0x1082  }
0x22: {  	[simem:s7], [sflag:s8] =	dma.local @!p0 [hbm:s6], $0xF7A  }
0x23: {  	s9 =	sor.u32 $0xD0000000, s2;
	s6 =	simm.s32 $0x108;
	_ =	swait.ge @!p0 [sflag:s8], $0x0  }
0x24: {  	s3 =	sadd.s32 $0x88, s3;
	s6 =	simm.s32 @!p1 $0x1082;
	[sflag:s4] =	ssyncset.s32 $0xFFFFF086  }
0x25: {  	[simem:s6], [sflag:s4] =	dma.local [hbm:s3], $0xF7A  }
0x26: {  	[smem:$0x3F9F] =	sst s1;
	(tag) =	ssettag s2;
	_ =	strace s9  }
0x27: {  	s1 =	sld [smem:$0x3FAF]  }
0x28: {  	s2 =	sld [smem:$0x3FB0]  }
0x29: {  	s4 =	sld [smem:$0x3FB2]  }
0x2a: {  	p0 =	seq.s32 s5, $0x0;
	s5 =	sld [smem:$0x3FB3]  }
0x2b: {  	s6 =	sld [smem:$0x3FB4]  }
0x2c: {  	s7 =	sld [smem:$0x3FB5]  }
0x2d: {  	s3 =	simm.s32 $0x108;
	s8 =	sld [smem:$0x3FB6]  }
0x2e: {  	s3 =	simm.s32 @!p0 $0x1082;
	s9 =	sld [smem:$0x3FB7]  }
0x2f: {  	lr =	sadd.s32 s0, s3;
	s0 =	sld [smem:$0x3FAE]  }
0x30: {  	s3 =	sld [smem:$0x3FB1]  }
0x31: {  	[smem:$0x3FBA] =	sst s10  }
0x32: {  	s10 =	sld [smem:$0x3FB8];
	_ =	sdelay $0x3  }
0x33: {  	p0 =	seq.s32 s10, $0x1;
	s10 =	sld [smem:$0x3FBA];
	_ =	sdelay $0x3  }
0x34: {  	[smem:$0x3FBA] =	sst s10  }
0x35: {  	s10 =	sld [smem:$0x3FB9];
	_ =	sdelay $0x3  }
0x36: {  	p1 =	seq.s32 s10, $0x1;
	s10 =	sld [smem:$0x3FBA];
	_ =	sdelay $0x3  }
0x37: {  	[smem:$0x3FBA] =	sst s10  }
0x38: {  	s10 =	sld [smem:$0x3FBB]  }
0x39: {  	_ = 	snop;
	(pc) =	sbr.ind lr, $3  }
0x3a: {  	_ = 	snop  }
0x3b: {  	_ = 	snop  }
0x3c: {  	p2 =	seq.s32 s10, $0x1;
	s10 =	sld [smem:$0x3FBA]  }
0x3d: {  	_ =	shalt  }
0x3e: {  	_ =	shalt  }
0x3f: {  	_ =	shalt  }
0x40: {  	_ =	shalt  }
0x41: {  	_ =	shalt  }
0x42: {  	_ =	shalt  }
0x43: {  	_ =	shalt  }
0x44: {  	_ =	shalt  }
0x45: {  	_ =	shalt  }
0x46: {  	_ =	shalt  }
0x47: {  	_ =	shalt  }
0x48: {  	_ =	shalt  }
0x49: {  	_ =	shalt  }
0x4a: {  	_ =	shalt  }
0x4b: {  	_ =	shalt  }
0x4c: {  	_ =	shalt  }
0x4d: {  	_ =	shalt  }
0x4e: {  	_ =	shalt  }
0x4f: {  	_ =	shalt  }
0x50: {  	_ =	shalt  }
0x51: {  	_ =	shalt  }
0x52: {  	_ =	shalt  }
0x53: {  	_ =	shalt  }
0x54: {  	_ =	shalt  }
0x55: {  	_ =	shalt  }
0x56: {  	_ =	shalt  }
0x57: {  	_ =	shalt  }
0x58: {  	_ =	shalt  }
0x59: {  	_ =	shalt  }
0x5a: {  	_ =	shalt  }
0x5b: {  	_ =	shalt  }
0x5c: {  	_ =	shalt  }
0x5d: {  	_ =	shalt  }
0x5e: {  	_ =	shalt  }
0x5f: {  	_ =	shalt  }
0x60: {  	_ =	shalt  }
0x61: {  	_ =	shalt  }
0x62: {  	_ =	shalt  }
0x63: {  	_ =	shalt  }
0x64: {  	_ =	shalt  }
0x65: {  	_ =	shalt  }
0x66: {  	_ =	shalt  }
0x67: {  	_ =	shalt  }
0x68: {  	_ =	shalt  }
0x69: {  	_ =	shalt  }
0x6a: {  	_ =	shalt  }
0x6b: {  	_ =	shalt  }
0x6c: {  	_ =	shalt  }
0x6d: {  	_ =	shalt  }
0x6e: {  	_ =	shalt  }
0x6f: {  	_ =	shalt  }
0x70: {  	_ =	shalt  }
0x71: {  	_ =	shalt  }
0x72: {  	_ =	shalt  }
0x73: {  	_ =	shalt  }
0x74: {  	_ =	shalt  }
0x75: {  	_ =	shalt  }
0x76: {  	_ =	shalt  }
0x77: {  	_ =	shalt  }
0x78: {  	_ =	shalt  }
0x79: {  	_ =	shalt  }
0x7a: {  	_ =	shalt  }
0x7b: {  	_ =	shalt  }
0x7c: {  	_ =	shalt  }
0x7d: {  	_ =	shalt  }
0x7e: {  	_ =	shalt  }
0x7f: {  	_ =	shalt  }
0x80: {  	_ =	shalt  }
0x81: {  	_ =	shalt  }
0x82: {  	_ =	shalt  }
0x83: {  	_ =	shalt  }
0x84: {  	_ =	shalt  }
0x85: {  	_ =	shalt  }
0x86: {  	_ =	shalt  }
0x87: {  	_ =	shalt  }
.Lfunc_end0:
.L_simem_size_0:
called_computation.1_lowered:
.L_overlay_start_0:
0x88: {  	s2 =	sld [smem:$0x3FD9]  }
0x89: {  	s3 =	sld [smem:$0x3FFE];
	_ =	sdelay $0x1  }
0x8a: {  	s1 =	srdreg.scid  }
0x8b: {  	s0 =	sand.u32 $0x1, s1  }
0x8c: {  	s17 =	sshll.u32 s0, $0xA;
	s2 =	sadd.s32 s3, s2  }
0x8d: {  	s2 =	sadd.s32 s2, s17  }
0x8e: {  	[smem:$0x3FC6] =	sst s2  }
0x8f: {  	_ = 	snop  }
0x90: {  	s2 =	sld [smem:$0x3FD0];
	(tm) =	ssettm $0x1  }
0x91: {  	s18 =	sld [smem:$0x3FFB];
	_ =	sdelay $0x3  }
0x92: {  	_ =	strace s18  }
0x93: {  	s3 =	sld [smem:$0x3FFC];
	_ =	sdelay $0x3  }
0x94: {  	_ =	strace s3  }
0x95: {  	s3 =	sld [smem:$0x3FFD];
	_ =	sdelay $0x3  }
0x96: {  	_ =	strace s3  }
0x97: {  	_ =	strace $0x8FFFFFFF  }
0x98: {  	s19 =	sld [smem:$0x3FDB];
	_ =	sdelay $0x1  }
0x99: {  	s4 =	simm.s32 $_scs_section_size  }
0x9a: {  	s5 =	simm.s32 $_size__tile_overlayer_lowered;
	s6 =	simm.s32 $_tile_overlayer_lowered  }
0x9b: {  	s22 =	simm.s32 $0x1BFF;
	s21 =	sshll.u32 s6, $0x1;
	s3 =	sadd.s32 s4, s19  }
0x9c: {  	s7 =	simm.s32 $0x0;
	s20 =	sshll.u32 s5, $0x1;
	s5 =	sadd.s32 s21, s3  }
0x9d: {  	[timem:s7], [sflag:s22] =	dma.local [hbm:s5], s20  }
0x9e: {  	_ =	swait.ge [sflag:s22], s20  }
0x9f: {  	s4 =	ssub.s32 $0x0, s20;
	[sflag:s22] =	ssyncset.done $0x0  }
0xa0: {  	[sflag:s22] =	ssyncadd.s32 s4;
	_ =	sdelay $0x1  }
0xa1: {  	s23 =	simm.s32 $0x1B8B  }
0xa2: {  	_ =	swait.ge [sflag:s23], $0x1  }
0xa3: {  	[sflag:s23] =	ssyncset.done $0x0  }
0xa4: {  	s25 =	simm.s32 $0x1B8E;
	s24 =	sld [smem:$0x3FFE];
	[sflag:s23] =	ssyncadd.s32 $0xFFFFFFFF  }
0xa5: {  	s26 =	simm.s32 $execute0_lowered;
	[smem:$0x3FD2] =	sst s25  }
0xa6: {  	s5 =	sshll.u32 s26, $0x1;
	_ =	strace $0x80000046;
	[dreg:$0x1] =	wrdreg $0xFFFFFFFF  }
0xa7: {  	s28 =	simm.s32 $_size_execute0_lowered;
	s3 =	sadd.s32 s3, s5;
	[dreg:$0x0] =	wrdreg $0x0  }
0xa8: {  	s5 =	sshll.u32 s28, $0x1;
	[dreg:$0x2] =	wrdreg s3  }
0xa9: {  	[dreg:$0x3] =	wrdreg s5  }
0xaa: {  	[dreg:$0x4] =	wrdreg $0xC0  }
0xab: {  	_ =	task [dreg:s7], $0x5FFFF  }
0xac: {  	[dreg:$0x1] =	wrdreg $0xFFFFFFFF  }
0xad: {  	[dreg:$0x0] =	wrdreg $0x60  }
0xae: {  	[dreg:$0x2] =	wrdreg s24  }
0xaf: {  	[dreg:$0x3] =	wrdreg s2  }
0xb0: {  	[dreg:$0x4] =	wrdreg $0xE4000  }
0xb1: {  	[dreg:$0x5] =	wrdreg $0x9  }
0xb2: {  	_ =	task.clear_ibuf [dreg:s7], $0x6FFFF;
	_ =	strace $0x90000046  }
0xb3: {  	s29 =	simm.s32 $0x9;
	_ =	strace $0x80000048  }
0xb4: {  	_ =	swait.ge [sflag:s29], $0x1  }
0xb5: {  	[sflag:s29] =	ssyncadd.s32 $0xFFFFFFFF  }
0xb6: {  	_ =	strace $0x90000048  }
0xb7: {  	_ =	sfence  }
0xb8: {  	s30 =	sld [smem:$0x0];
	_ =	sdelay $0x2  }
0xb9: {  	s31 =	sshll.u32 s1, $0xD;
	s1 =	sshrl.u32 s1, $0x2  }
0xba: {  	s3 =	sand.u32 $0x4000, s31;
	s1 =	sadd.s32 s1, s30  }
0xbb: {  	s0 =	sor.u32 s3, s0;
	s1 =	sshll.u32 s1, $0x11  }
0xbc: {  	s0 =	sor.u32 s1, s0  }
0xbd: {  	s0 =	sadd.s32 $0x8F2B, s0  }
0xbe: {  	[sflag:s0] =	ssyncadd.remote.s32 $0x1  }
0xbf: {  	_ =	sfence.sel $0xFFFF  }
0xc0: {  	[dreg:$0x0] =	wrdreg $0xFFFFFFFF;
	(pc) =	sbr.abs _section_cstart, $3  }
0xc1: {  	[dreg:$0x1] =	wrdreg $0xFFFFFFFF  }
0xc2: {  	_ =	task.clear_ibuf [dreg:s7], $0x2FFFF;
	_ =	strace $0x9FFFFFFF  }
0xc3: {  	(tm) =	ssettm $0x7FFFFFFF  }
tec
execute0_lowered:
.L_overlay_start_1:
0x0: {  	(tag) =	ssettag $0x1  }
0x1: {  	s1 =	rddreg [dreg:$0x0]  }
0x2: {  	s2 =	rddreg [dreg:$0x1]  }
0x3: {  	s3 =	srdreg.scid;
	s0 =	stileid.u32  }
0x4: {  	s5 =	rddreg [dreg:$0x2];
	s7 =	simm.s32 $0x0;
	s30 =	simm.s32 $0xC400  }
0x5: {  	s19 =	simm.s32 $0x1;
	s20 =	simm.s32 $0x2;
	s22 =	simm.s32 $0x5  }
0x6: {  	s23 =	simm.s32 $0x3;
	s28 =	simm.s32 $0x7;
	s14 =	simm.s32 $0x0  }
0x7: {  	s3 =	sand.u32 $0x1, s3;
	s4 =	sshll.u32 s0, $0x1;
	[smem:$0x7FF] =	sst s7  }
0x8: {  	s25 =	sshll.u32 s0, $0xF;
	s26 =	smul.u32 $0x190000, s0;
	s6 =	sor.u32 s3, s4  }
0x9: {  	s8 =	ssub.s32 $0x2, s3;
	_ =	strace $0x80000047;
	s3 =	smul.u32 $0xC8000, s3  }
0xa: {  	s4 =	sadd.s32 $0xF42E00, s1;
	s7 =	sadd.s32 s25, s5;
	s24 =	smul.u32 $0xC80, s6  }
0xb: {  	s9 =	sshrl.u32 s8, $0x1;
	s6 =	smul.u32 $0xC8000, s6;
	s11 =	sadd.s32 $0x4000, s7  }
0xc: {  	s13 =	ssub.s32 s8, s9;
	s8 =	sadd.s32 $0x6000, s7;
	s9 =	sadd.s32 $0x2000, s7  }
0xd: {  	s1 =	sadd.s32 s24, s1;
	s10 =	sor.u32 $0x2000, s6;
	s29 =	sshrl.u32 s6, $0x3  }
0xe: {  	s12 =	sor.u32 $0x4000, s6;
	s31 =	smax.u32 s13, $0x1;
	s24 =	simm.s32 $0x6  }
0xf: {  	s1 =	sadd.s32 $0xA00, s1;
	s5 =	sadd.s32 s2, s29;
	[dreg:$0x6] =	wrdreg s31  }
0x10: {  	[dreg:$0x4] =	wrdreg s1;
	s5 =	sadd.s32 $0x18C00, s5;
	s1 =	sadd.s32 s3, s26  }
0x11: {  	s26 =	simm.s32 $0x4;
	s3 =	simm.s32 $0xB;
	[dreg:$0x5] =	wrdreg s5  }
0x12: {  	s15 =	sadd.s32 $0xFFFFE000, s1;
	s1 =	simm.s32 $0xA;
	s5 =	simm.s32 $0xC  }
.LBB2_1:
0x13: {  	[dreg:$0x7] =	wrdreg s14  }
0x14: {  	s13 =	simm.s32 $0x0;
	s21 =	rddreg [dreg:$0x4];
	s25 =	simm.s32 $0xD  }
0x15: {  	[tilespmem:s13], [sflag:$0xD] =	stream.linear.gather [hbm4b:s21+s13], $0x6400, $0x38;
	[tilespmem:$0x16400] =	vst v63  }
0x16: {  	_ =	swait.ge [sflag:s25], $0x6400  }
0x17: {  	[sflag:s25] =	ssyncset.done $0x0  }
0x18: {  	s14 =	simm.s32 $0x80;
	s16 =	simm.s32 $0x6400;
	[sflag:s25] =	ssyncadd.s32 $0xFFFF9C00  }
0x19: {  	[tilespmem:s16], [sflag:$0x1] =	stream.indirect.gather [hbm4b:s4+s14], $0x20, s13, s14, $0xb8;
	[tilespmem:$0x16400] =	vst v63  }
0x1a: {  	s29 =	simm.s32 $0x7400  }
0x1b: {  	[tilespmem:s29], [sflag:$0x1] =	stream.indirect.gather [hbm4b:s4+s14], $0x20, s14, s14, $0xb8;
	[tilespmem:$0x16400] =	vst v63  }
0x1c: {  	s17 =	simm.s32 $0x8400;
	s16 =	simm.s32 $0x100  }
0x1d: {  	[tilespmem:s17], [sflag:$0x2] =	stream.indirect.gather [hbm4b:s4+s14], $0x20, s16, s14, $0xb8;
	[tilespmem:$0x16400] =	vst v63  }
0x1e: {  	s18 =	simm.s32 $0x180;
	s21 =	simm.s32 $0x9400  }
0x1f: {  	[tilespmem:s21], [sflag:$0x2] =	stream.indirect.gather [hbm4b:s4+s14], $0x20, s18, s14, $0xb8;
	[tilespmem:$0x16400] =	vst v63  }
0x20: {  	s25 =	simm.s32 $0x200;
	s29 =	simm.s32 $0xA400  }
0x21: {  	[tilespmem:s29], [sflag:$0x3] =	stream.indirect.gather [hbm4b:s4+s14], $0x20, s25, s14, $0xb8;
	[tilespmem:$0x16400] =	vst v63  }
0x22: {  	s17 =	simm.s32 $0x280;
	s18 =	simm.s32 $0xB400  }
0x23: {  	[tilespmem:s18], [sflag:$0x3] =	stream.indirect.gather [hbm4b:s4+s14], $0x20, s17, s14, $0xb8;
	[tilespmem:$0x16400] =	vst v63  }
0x24: {  	s31 =	simm.s32 $0x0;
	s21 =	simm.s32 $0x300  }
0x25: {  	[tilespmem:s30], [sflag:$0x4] =	stream.indirect.gather [hbm4b:s4+s14], $0x20, s21, s14, $0xb8;
	[tilespmem:$0x16400] =	vst v63  }
0x26: {  	s16 =	simm.s32 $0x0;
	s25 =	simm.s32 $0x380;
	s29 =	simm.s32 $0xD400  }
0x27: {  	[tilespmem:s29], [sflag:$0x4] =	stream.indirect.gather [hbm4b:s4+s14], $0x20, s25, s14, $0xb8;
	[tilespmem:$0x16400] =	vst v63  }
.LBB2_2:
0x28: {  	_ =	swait.ge [sflag:s19], $0x1000  }
0x29: {  	[sflag:s19] =	ssyncset.done $0x0  }
0x2a: {  	[sflag:s19] =	ssyncadd.s32 $0xFFFFF000  }
0x2b: {  	_ =	swait.ge [sflag:s19], $0x1000  }
0x2c: {  	p0 =	seq.s32 s16, $0x0;
	[sflag:s19] =	ssyncset.done $0x0  }
0x2d: {  	s13 =	simm.s32 @!p0 $0x8;
	[sflag:s19] =	ssyncadd.s32 $0xFFFFF000  }
0x2e: {  	_ =	swait.ge @!p0 [sflag:s13], $0x2000  }
0x2f: {  	s14 =	sadd.s32 @!p0 s31, s15;
	[sflag:s13] =	ssyncset.done @!p0 $0x0  }
0x30: {  	[sflag:s13] =	ssyncadd.s32 @!p0 $0xFFFFE000;
	s13 =	sshrl.u32 @!p0 s14, $0x3;
	s14 =	sshll.u32 @!p0 s0, $0x6  }
0x31: {  	s17 =	sshrl.u32 @!p0 s8, $0x3;
	s13 =	sadd.s32 @!p0 s2, s13;
	s14 =	sor.u32 @!p0 $0x1C0C, s14  }
0x32: {  	[hbm:s13], [sflag:s14] =	dma.local @!p0 [spmem:s17], $0x400  }
0x33: {  	s13 =	sshra.s32 @!p0 s16, $0x2  }
0x34: {  	s29 =	simm.s32 @!p0 $0xC400;
	s17 =	simm.s32 @!p0 $0x80;
	s14 =	sadd.s32 @!p0 $0x300, s13  }
0x35: {  	[tilespmem:s29], [sflag:$0x4] =	stream.indirect.gather @!p0 [hbm4b:s4+s17], $0x20, s14, s17, $0xb8;
	[tilespmem:$0x16400] =	vst v63  }
0x36: {  	s13 =	sadd.s32 @!p0 $0x380, s13;
	s14 =	simm.s32 @!p0 $0xD400  }
0x37: {  	[tilespmem:s14], [sflag:$0x4] =	stream.indirect.gather @!p0 [hbm4b:s4+s17], $0x20, s13, s17, $0xb8;
	[tilespmem:$0x16400] =	vst v63  }
0x38: {  	s13 =	simm.s32 @!p0 $0x9  }
0x39: {  	_ =	swait.ge @!p0 [sflag:s13], $0x400  }
0x3a: {  	[sflag:s13] =	ssyncset.done @!p0 $0x0  }
0x3b: {  	s17 =	simm.s32 $0x6400;
	[sflag:s13] =	ssyncadd.s32 @!p0 $0xFFFFFC00  }
0x3c: {  	[spmem:s7] =	stream.linear.scatter [tilespmem:s17], [sflag:$0x5], $0x2000, $0x38;
	[tilespmem:$0x16400] =	vst v63  }
0x3d: {  	_ =	swait.ge [sflag:s20], $0x1000  }
0x3e: {  	[sflag:s20] =	ssyncset.done $0x0  }
0x3f: {  	[sflag:s20] =	ssyncadd.s32 $0xFFFFF000  }
0x40: {  	s14 =	smov.u32 s31;
	_ =	swait.ge [sflag:s20], $0x1000  }
0x41: {  	s29 =	sshll.u32 s0, $0x6;
	s14 =	simm.s32 @p0 $0x0;
	[sflag:s20] =	ssyncset.done $0x0  }
0x42: {  	s21 =	sor.u32 $0x1C09, s29;
	s18 =	sadd.s32 s6, s14;
	[sflag:s20] =	ssyncadd.s32 $0xFFFFF000  }
0x43: {  	s13 =	sshrl.u32 s18, $0x3;
	s18 =	sshrl.u32 s7, $0x3;
	_ =	swait.ge [sflag:s22], $0x2000  }
0x44: {  	p0 =	seq.s32 s16, $0x18000;
	s13 =	sadd.s32 s2, s13;
	[sflag:s22] =	ssyncset.done $0x0  }
0x45: {  	s17 =	sshra.s32 @!p0 s16, $0x2;
	p1 =	seq.s32 @!p0 s16, $0x0;
	[sflag:s22] =	ssyncadd.s32 $0xFFFFE000  }
0x46: {  	[hbm:s13], [sflag:s21] =	dma.local [spmem:s18], $0x400  }
0x47: {  	s18 =	sadd.s32 @!p0 $0x400, s17;
	s13 =	simm.s32 @!p0 $0x80;
	s21 =	simm.s32 @!p0 $0x6400  }
0x48: {  	[tilespmem:s21], [sflag:$0x1] =	stream.indirect.gather @!p0 [hbm4b:s4+s13], $0x20, s18, s13, $0xb8;
	[tilespmem:$0x16400] =	vst v63  }
0x49: {  	p1 =	por p0, !p1;
	s18 =	sadd.s32 @!p0 $0x480, s17;
	s21 =	simm.s32 @!p0 $0x7400  }
0x4a: {  	[tilespmem:s21], [sflag:$0x1] =	stream.indirect.gather @!p0 [hbm4b:s4+s13], $0x20, s18, s13, $0xb8;
	[tilespmem:$0x16400] =	vst v63  }
0x4b: {  	_ =	swait.ge @p1 [sflag:s1], $0x400  }
0x4c: {  	[sflag:s1] =	ssyncset.done @p1 $0x0  }
0x4d: {  	s25 =	simm.s32 $0x8400;
	[sflag:s1] =	ssyncadd.s32 @p1 $0xFFFFFC00  }
0x4e: {  	[spmem:s9] =	stream.linear.scatter [tilespmem:s25], [sflag:$0x6], $0x2000, $0x38;
	[tilespmem:$0x16400] =	vst v63  }
0x4f: {  	_ =	swait.ge [sflag:s23], $0x1000  }
0x50: {  	[sflag:s23] =	ssyncset.done $0x0  }
0x51: {  	[sflag:s23] =	ssyncadd.s32 $0xFFFFF000  }
0x52: {  	_ =	swait.ge [sflag:s23], $0x1000  }
0x53: {  	[sflag:s23] =	ssyncset.done $0x0  }
0x54: {  	[sflag:s23] =	ssyncadd.s32 $0xFFFFF000  }
0x55: {  	s21 =	sadd.s32 s14, s10;
	_ =	swait.ge [sflag:s24], $0x2000  }
0x56: {  	s18 =	sshrl.u32 s21, $0x3;
	s21 =	sor.u32 $0x1C0A, s29;
	[sflag:s24] =	ssyncset.done $0x0  }
0x57: {  	s18 =	sadd.s32 s2, s18;
	s25 =	sshrl.u32 s9, $0x3;
	[sflag:s24] =	ssyncadd.s32 $0xFFFFE000  }
0x58: {  	[hbm:s18], [sflag:s21] =	dma.local [spmem:s25], $0x400  }
0x59: {  	s18 =	sadd.s32 @!p0 $0x500, s17;
	s21 =	simm.s32 @!p0 $0x8400  }
0x5a: {  	[tilespmem:s21], [sflag:$0x2] =	stream.indirect.gather @!p0 [hbm4b:s4+s13], $0x20, s18, s13, $0xb8;
	[tilespmem:$0x16400] =	vst v63  }
0x5b: {  	s18 =	sadd.s32 @!p0 $0x580, s17;
	s21 =	simm.s32 @!p0 $0x9400  }
0x5c: {  	[tilespmem:s21], [sflag:$0x2] =	stream.indirect.gather @!p0 [hbm4b:s4+s13], $0x20, s18, s13, $0xb8;
	[tilespmem:$0x16400] =	vst v63  }
0x5d: {  	_ =	swait.ge @p1 [sflag:s3], $0x400  }
0x5e: {  	[sflag:s3] =	ssyncset.done @p1 $0x0  }
0x5f: {  	s25 =	simm.s32 $0xA400;
	[sflag:s3] =	ssyncadd.s32 @p1 $0xFFFFFC00  }
0x60: {  	[spmem:s11] =	stream.linear.scatter [tilespmem:s25], [sflag:$0x7], $0x2000, $0x38;
	[tilespmem:$0x16400] =	vst v63  }
0x61: {  	_ =	swait.ge [sflag:s26], $0x1000  }
0x62: {  	[sflag:s26] =	ssyncset.done $0x0  }
0x63: {  	[sflag:s26] =	ssyncadd.s32 $0xFFFFF000  }
0x64: {  	_ =	swait.ge [sflag:s26], $0x1000  }
0x65: {  	[sflag:s26] =	ssyncset.done $0x0  }
0x66: {  	[sflag:s26] =	ssyncadd.s32 $0xFFFFF000  }
0x67: {  	s18 =	sadd.s32 s14, s12;
	_ =	swait.ge [sflag:s28], $0x2000  }
0x68: {  	s21 =	sor.u32 $0x1C0B, s29;
	s13 =	sshrl.u32 s18, $0x3;
	[sflag:s28] =	ssyncset.done $0x0  }
0x69: {  	s13 =	sadd.s32 s2, s13;
	s25 =	sshrl.u32 s11, $0x3;
	[sflag:s28] =	ssyncadd.s32 $0xFFFFE000  }
0x6a: {  	[hbm:s13], [sflag:s21] =	dma.local [spmem:s25], $0x400  }
0x6b: {  	s14 =	simm.s32 @!p0 $0x80;
	s18 =	simm.s32 @!p0 $0xA400;
	s13 =	sadd.s32 @!p0 $0x600, s17  }
0x6c: {  	[tilespmem:s18], [sflag:$0x3] =	stream.indirect.gather @!p0 [hbm4b:s4+s14], $0x20, s13, s14, $0xb8;
	[tilespmem:$0x16400] =	vst v63  }
0x6d: {  	s16 =	sadd.s32 $0x1000, s16;
	s13 =	sadd.s32 @!p0 $0x680, s17;
	s17 =	simm.s32 @!p0 $0xB400  }
0x6e: {  	[tilespmem:s17], [sflag:$0x3] =	stream.indirect.gather @!p0 [hbm4b:s4+s14], $0x20, s13, s14, $0xb8;
	[tilespmem:$0x16400] =	vst v63  }
0x6f: {  	p0 =	sne.s32 s16, $0x19000  }
.Ltmp0:
0x70: {  	_ = 	snop;
	(pc) =	sbr.rel @p0 .LBB2_2-.Ltmp0, $4  }
0x71: {  	_ =	swait.ge @p1 [sflag:s5], $0x400  }
0x72: {  	[sflag:s5] =	ssyncset.done @p1 $0x0  }
0x73: {  	s31 =	sadd.s32 $0x8000, s31;
	[sflag:s5] =	ssyncadd.s32 @p1 $0xFFFFFC00  }
0x74: {  	[spmem:s8] =	stream.linear.scatter [tilespmem:s30], [sflag:$0x8], $0x2000, $0x38;
	[tilespmem:$0x16400] =	vst v63  }
0x75: {  	s13 =	simm.s32 $0x8  }
0x76: {  	_ =	swait.ge [sflag:s13], $0x2000  }
0x77: {  	s21 =	sor.u32 $0x1C0C, s29;
	s14 =	sshrl.u32 s8, $0x3;
	[sflag:s13] =	ssyncset.done $0x0  }
0x78: {  	s25 =	simm.s32 $0x9;
	s16 =	rddreg [dreg:$0x5];
	[sflag:s13] =	ssyncadd.s32 $0xFFFFE000  }
0x79: {  	[hbm:s16], [sflag:s21] =	dma.local [spmem:s14], $0x400  }
0x7a: {  	_ =	swait.ge [sflag:s25], $0x400  }
0x7b: {  	[sflag:s25] =	ssyncset.done $0x0  }
0x7c: {  	[sflag:s25] =	ssyncadd.s32 $0xFFFFFC00  }
0x7d: {  	_ =	swait.ge [sflag:s1], $0x400  }
0x7e: {  	[sflag:s1] =	ssyncset.done $0x0  }
0x7f: {  	[sflag:s1] =	ssyncadd.s32 $0xFFFFFC00  }
0x80: {  	_ =	swait.ge [sflag:s3], $0x400  }
0x81: {  	[sflag:s3] =	ssyncset.done $0x0  }
0x82: {  	[sflag:s3] =	ssyncadd.s32 $0xFFFFFC00  }
0x83: {  	_ =	swait.ge [sflag:s5], $0x400  }
0x84: {  	s29 =	rddreg [dreg:$0x7]  }
0x85: {  	s31 =	rddreg [dreg:$0x6];
	s14 =	sadd.s32 $0x1, s29  }
0x86: {  	p0 =	sne.s32 s14, s31  }
.Ltmp1:
0x87: {  	_ = 	snop;
	(pc) =	sbr.rel @p0 .LBB2_1-.Ltmp1, $3  }
0x88: {  	_ =	sdelay $0x1  }
0x89: {  	[sflag:s5] =	ssyncset.done $0x0  }
0x8a: {  	[sflag:s5] =	ssyncadd.s32 $0xFFFFFC00  }
0x8b: {  	_ =	sfence.sel $0x180000  }
0x8c: {  	[bflag:$0x0] =	sbarrier.arrive $0xFFFF  }
0x8d: {  	_ =	strace $0x90000047  }
0x8e: {  	[bflag:$0x2] =	sbarrier.arrive $0xFFFF  }
0x8f: {  	p0 =	sne.s32 s0, $0x0;
	s0 =	rddreg [dreg:$0x3]  }
0x90: {  	s0 =	sadd.s32 @!p0 $0x100000, s0  }
0x91: {  	[sflag:s0] =	ssyncadd.tile.s32 @!p0 $0x1;
	_ =	shalt  }
.Lfunc_end2:
_tile_overlayer_lowered:
.L_overlay_start_2:
0x92: {  	(tag) =	ssettag $0x2  }
0x93: {  	s0 =	rddreg [dreg:$0x0];
	s2 =	stileid.u32  }
0x94: {  	s1 =	rddreg [dreg:$0x1];
	p0 =	sne.s32 s2, $0x0  }
0x95: {  	s3 =	rddreg [dreg:$0x2];
	[bflag:$0x3] =	sbarrier.arrive $0xFFFF;
	s2 =	simm.s32 @!p0 $0x1C0D  }
0x96: {  	[timem:s3], [sflag:s2] =	dma.local @!p0 [hbm:s0], s1  }
0x97: {  	s0 =	simm.s32 @!p0 $0xD  }
0x98: {  	_ =	swait.ge @!p0 [sflag:s0], s1  }
0x99: {  	s1 =	ssub.s32 @!p0 $0x0, s1;
	[sflag:s0] =	ssyncset.done @!p0 $0x0  }
0x9a: {  	[sflag:s0] =	ssyncadd.s32 @!p0 s1  }
0x9b: {  	[bflag:$0x3] =	sbarrier.arrive $0xFFFF  }
0x9c: {  	_ =	shalt  }

// kernel: sparse-core-data-format-call.cloned.1.call-start
scs
called_computation_lowered:
.L_overlay_start_0:
0x0: {  	s2 =	sld [smem:$0x3FD9]  }
0x1: {  	s3 =	sld [smem:$0x3FFE];
	_ =	sdelay $0x1  }
0x2: {  	s1 =	srdreg.scid  }
0x3: {  	s0 =	sand.u32 $0x1, s1  }
0x4: {  	s18 =	sshll.u32 s0, $0xA;
	s2 =	sadd.s32 s3, s2  }
0x5: {  	s2 =	sadd.s32 s2, s18  }
0x6: {  	[smem:$0x3FC6] =	sst s2  }
0x7: {  	_ = 	snop  }
0x8: {  	s2 =	sld [smem:$0x3FD0];
	(tm) =	ssettm $0x1  }
0x9: {  	s19 =	sld [smem:$0x3FFB];
	_ =	sdelay $0x3  }
0xa: {  	_ =	strace s19  }
0xb: {  	s3 =	sld [smem:$0x3FFC];
	_ =	sdelay $0x3  }
0xc: {  	_ =	strace s3  }
0xd: {  	s3 =	sld [smem:$0x3FFD];
	_ =	sdelay $0x3  }
0xe: {  	_ =	strace s3  }
0xf: {  	_ =	strace $0x8FFFFFFF  }
0x10: {  	s20 =	sld [smem:$0x3FDB];
	_ =	sdelay $0x1  }
0x11: {  	s4 =	simm.s32 $_scs_section_size  }
0x12: {  	s5 =	simm.s32 $_size__tile_overlayer_lowered;
	s6 =	simm.s32 $_tile_overlayer_lowered  }
0x13: {  	s23 =	simm.s32 $0x1BFF;
	s22 =	sshll.u32 s6, $0x1;
	s3 =	sadd.s32 s4, s20  }
0x14: {  	s7 =	simm.s32 $0x0;
	s21 =	sshll.u32 s5, $0x1;
	s5 =	sadd.s32 s22, s3  }
0x15: {  	[timem:s7], [sflag:s23] =	dma.local [hbm:s5], s21  }
0x16: {  	_ =	swait.ge [sflag:s23], s21  }
0x17: {  	s4 =	ssub.s32 $0x0, s21;
	[sflag:s23] =	ssyncset.done $0x0  }
0x18: {  	[sflag:s23] =	ssyncadd.s32 s4;
	_ =	sdelay $0x1  }
0x19: {  	s24 =	simm.s32 $0x1B8B  }
0x1a: {  	_ =	swait.ge [sflag:s24], $0x1  }
0x1b: {  	[sflag:s24] =	ssyncset.done $0x0  }
0x1c: {  	s26 =	simm.s32 $0x1B8E;
	s25 =	sld [smem:$0x3FFE];
	[sflag:s24] =	ssyncadd.s32 $0xFFFFFFFF  }
0x1d: {  	s27 =	simm.s32 $execute0_lowered;
	[smem:$0x3FD2] =	sst s26  }
0x1e: {  	s5 =	sshll.u32 s27, $0x1;
	_ =	strace $0x80000049;
	[dreg:$0x1] =	wrdreg $0xFFFFFFFF  }
0x1f: {  	s28 =	simm.s32 $_size_execute0_lowered;
	s3 =	sadd.s32 s3, s5;
	[dreg:$0x0] =	wrdreg $0x0  }
0x20: {  	s5 =	sshll.u32 s28, $0x1;
	[dreg:$0x2] =	wrdreg s3  }
0x21: {  	[dreg:$0x3] =	wrdreg s5  }
0x22: {  	[dreg:$0x4] =	wrdreg $0xC0  }
0x23: {  	_ =	task [dreg:s7], $0x5FFFF  }
0x24: {  	[dreg:$0x1] =	wrdreg $0xFFFFFFFF  }
0x25: {  	[dreg:$0x0] =	wrdreg $0x60  }
0x26: {  	[dreg:$0x2] =	wrdreg s25  }
0x27: {  	[dreg:$0x3] =	wrdreg s2  }
0x28: {  	[dreg:$0x4] =	wrdreg $0x9  }
0x29: {  	_ =	task.clear_ibuf [dreg:s7], $0x5FFFF;
	_ =	strace $0x90000049  }
0x2a: {  	s29 =	simm.s32 $0x9;
	_ =	strace $0x8000004B  }
0x2b: {  	_ =	swait.ge [sflag:s29], $0x1  }
0x2c: {  	[sflag:s29] =	ssyncadd.s32 $0xFFFFFFFF  }
0x2d: {  	_ =	strace $0x9000004B  }
0x2e: {  	_ =	sfence  }
0x2f: {  	s30 =	sld [smem:$0x0];
	_ =	sdelay $0x2  }
0x30: {  	s31 =	sshll.u32 s1, $0xD;
	s1 =	sshrl.u32 s1, $0x2  }
0x31: {  	s3 =	sand.u32 $0x4000, s31;
	s1 =	sadd.s32 s1, s30  }
0x32: {  	s0 =	sor.u32 s3, s0;
	s1 =	sshll.u32 s1, $0x11  }
0x33: {  	s0 =	sor.u32 s1, s0  }
0x34: {  	s0 =	sadd.s32 $0x8F2B, s0  }
0x35: {  	[sflag:s0] =	ssyncadd.remote.s32 $0x1  }
0x36: {  	_ =	sfence.sel $0xFFFF  }
0x37: {  	[dreg:$0x0] =	wrdreg $0xFFFFFFFF;
	(pc) =	sbr.abs _section_cstart, $3  }
0x38: {  	[dreg:$0x1] =	wrdreg $0xFFFFFFFF  }
0x39: {  	_ =	task.clear_ibuf [dreg:s7], $0x2FFFF;
	_ =	strace $0x9FFFFFFF  }
0x3a: {  	(tm) =	ssettm $0x7FFFFFFF  }
0x3b: {  	_ =	shalt  }
tec
execute0_lowered:
.L_overlay_start_1:
0x0: {  	(tag) =	ssettag $0x1  }
0x1: {  	s0 =	srdreg.scid;
	s5 =	rddreg [dreg:$0x0]  }
0x2: {  	s2 =	rddreg [dreg:$0x1];
	s1 =	sshll.u32 s0, $0x4  }
0x3: {  	s9 =	simm.s32 $0x2;
	s0 =	stileid.u32;
	s1 =	sand.u32 $0x10, s1  }
0x4: {  	s15 =	simm.s32 $0x0;
	s11 =	simm.s32 $0x400;
	s4 =	sor.u32 s0, s1  }
0x5: {  	s12 =	simm.s32 $0x8000;
	s16 =	simm.s32 $0x0;
	s3 =	sshll.u32 s4, $0x7  }
0x6: {  	s13 =	simm.s32 $0x0;
	s1 =	rddreg [dreg:$0x2];
	s6 =	ssub.s32 $0x1000, s3  }
0x7: {  	_ =	strace $0x8000004A;
	s8 =	sshll.u32 s4, $0xB;
	s7 =	sand.u32 $0xF80, s6  }
0x8: {  	s4 =	simm.s32 $0x1;
	p0 =	sne.s32 s7, $0x0;
	s7 =	simm.s32 $0x1  }
.Ltmp0:
0x9: {  	s6 =	sshrl.u32 s6, $0xC;
	s7 =	simm.s32 @!p0 $0x0;
	(pc) =	sbr.rel .LBB1_1-.Ltmp0, $4  }
0xa: {  	s14 =	simm.s32 $0x0;
	[sflag:s4] =	ssyncpa.u1 $0x0;
	s6 =	sadd.s32 s7, s6  }
0xb: {  	s10 =	sadd.s32 s8, s5;
	[sflag:s9] =	ssyncpa.u1 $0x0;
	s5 =	smul.u32 $0x32, s6  }
0xc: {  	s8 =	sadd.s32 $0x20A00, s10;
	s9 =	sadd.s32 $0x30A00, s10;
	p0 =	por $0x0, $0x0  }
0xd: {  	s7 =	sadd.s32 $0x10A00, s10;
	s6 =	sadd.s32 $0xA00, s10;
	s10 =	sor.u32 $0x1, s5  }
.LBB1_7:
0xe: {  	s17 =	sadd.s32 $0x4, s13  }
0xf: {  	p2 =	sgt.s32 s17, $0xC7  }
0x10: {  	s17 =	simm.s32 @p2 $0x0;
	p2 =	sne.s32 s14, s10  }
.Ltmp1:
0x11: {  	p1 =	slt.u32 s14, $0x2;
	(pc) =	sbr.rel @!p2 .LBB1_8-.Ltmp1, $4  }
0x12: {  	s15 =	simm.s32 @!p1 $0x2  }
0x13: {  	s18 =	sadd.s32 $0x1, s14;
	s16 =	smov.u32 s13;
	_ =	swait.ge @!p1 [sflag:s15], $0x4000  }
0x14: {  	p0 =	por !p0, !p0;
	s14 =	smov.u32 s18;
	[sflag:s15] =	ssyncset.done @!p1 $0x0  }
0x15: {  	s13 =	smov.u32 s17;
	[sflag:s15] =	ssyncadd.s32 @!p1 $0xFFFFC000;
	s15 =	smov.u32 s3  }
.LBB1_1:
0x16: {  	p1 =	sge.u32 s14, s5  }
0x17: {  	s17 =	sxor.u32 @!p1 $0xFFFFFFFF, s14  }
0x18: {  	s18 =	sshll.u32 @!p1 s13, $0x10;
	s20 =	simm.s32 @!p1 $0x20;
	s17 =	sshll.u32 @!p1 s17, $0xE  }
0x19: {  	s21 =	simm.s32 @!p1 $0x80;
	s19 =	sadd.s32 @!p1 s18, s6;
	s17 =	sand.u32 @!p1 $0x4000, s17  }
0x1a: {  	[tilespmem:s17], [sflag:$0x1] =	stream.strided.gather @!p1 [hbm4b:s19+s20], $0x1000, s21, s20, $0x38;
	[tilespmem:$0x10100] =	vst v63  }
0x1b: {  	s19 =	sadd.s32 @!p1 s18, s7;
	s22 =	sor.u32 @!p1 $0x1000, s17  }
0x1c: {  	[tilespmem:s22], [sflag:$0x1] =	stream.strided.gather @!p1 [hbm4b:s19+s20], $0x1000, s21, s20, $0x38;
	[tilespmem:$0x10100] =	vst v63  }
0x1d: {  	s19 =	sadd.s32 @!p1 s18, s8;
	s22 =	sor.u32 @!p1 $0x2000, s17  }
0x1e: {  	[tilespmem:s22], [sflag:$0x1] =	stream.strided.gather @!p1 [hbm4b:s19+s20], $0x1000, s21, s20, $0x38;
	[tilespmem:$0x10100] =	vst v63  }
0x1f: {  	s31 =	sadd.s32 $0xFFFFFFFF, s14;
	s18 =	sadd.s32 @!p1 s18, s9;
	s17 =	sor.u32 @!p1 $0x3000, s17  }
0x20: {  	[tilespmem:s17], [sflag:$0x1] =	stream.strided.gather @!p1 [hbm4b:s18+s20], $0x1000, s21, s20, $0x38;
	[tilespmem:$0x10100] =	vst v63  }
0x21: {  	p1 =	sge.u32 s31, s5  }
.Ltmp2:
0x22: {  	_ = 	snop;
	(pc) =	sbr.rel @p1 .LBB1_7-.Ltmp2, $1  }
0x23: {  	_ =	sdelay $0x3  }
0x24: {  	s18 =	simm.s32 $0x1;
	s19 =	sand.u32 $0x1, s14  }
0x25: {  	_ =	swait.ge [sflag:s4], $0x4000;
	s18 =	simm.s32 @!p0 $0x0;
	s20 =	smul.u32 $0x10200, s19  }
0x26: {  	[sflag:s4] =	ssyncset.done $0x0;
	s17 =	smul.u32 $0x10200, s18  }
0x27: {  	s18 =	sshll.u32 s18, $0xE;
	[sflag:s4] =	ssyncadd.s32 $0xFFFFC000  }
0x28: {  	s19 =	sor.u32 $0x10, s18;
	s31 =	sshrl.u32 s20, $0x2;
	s17 =	sshrl.u32 s17, $0x2  }
0x29: {  	s20 =	simm.s32 $0x0;
	s18 =	sor.u32 $0x8000, s31;
	s17 =	sor.u32 $0x8000, s17  }
.LBB1_3:
0x2a: {  	v1 =	vld [tilespmem:s19+$0x0]  }
0x2b: {  	v0 =	vld [tilespmem:s19+$0xFFFFFFF0];
	_ =	sdelay $0x2  }
0x2c: {  	s23 =	sadd.s32 $0x0, s17  }
0x2d: {  	s21 =	simm.s32 $0x4;
	s22 =	sadd.s32 $0x20, s19;
	[tilespmem:s23+$0x810 ss:$0x81] =	vst.msk $0xffff, v1  }
.LBB1_4:
0x2e: {  	v1 =	vld [tilespmem:s22+$0x0];
	p1 =	sne.s32 s21, $0x1FC;
	[tilespmem:s23+$0x0 ss:$0x81] =	vst.msk $0xffff, v0;
	s23 =	smov.u32 s21;
	s21 =	sadd.s32 $0x4, s21  }
.Ltmp3:
0x2f: {  	v0 =	vld [tilespmem:s22+$0xFFFFFFF0];
	(pc) =	sbr.rel @p1 .LBB1_4-.Ltmp3, $4  }
0x30: {  	_ = 	snop  }
0x31: {  	s23 =	sshra.s32 s23, $0x2  }
0x32: {  	s23 =	sadd.s32 s23, s17  }
0x33: {  	s22 =	sadd.s32 $0x20, s22;
	[tilespmem:s23+$0x810 ss:$0x81] =	vst.msk $0xffff, v1  }
0x34: {  	s20 =	sadd.s32 $0x1, s20  }
0x35: {  	p1 =	sne.s32 s20, $0x4  }
.Ltmp4:
0x36: {  	_ = 	snop;
	(pc) =	sbr.rel @p1 .LBB1_3-.Ltmp4, $2  }
0x37: {  	_ =	sdelay $0x2  }
0x38: {  	[tilespmem:s23+$0x0 ss:$0x81] =	vst.msk $0xffff, v0;
	s17 =	sadd.s32 $0x1020, s17;
	s19 =	sadd.s32 $0x1000, s19  }
.Ltmp5:
0x39: {  	(pc) =	sbr.rel .LBB1_7-.Ltmp5, $4  }
0x3a: {  	s16 =	sshll.u32 s16, $0xE  }
0x3b: {  	s16 =	sadd.s32 s2, s16  }
0x3c: {  	s15 =	sadd.s32 s15, s16  }
0x3d: {  	[hbm4b:s15+s11] =	stream.strided.scatter [tilespmem:s18], [sflag:$0x2], $0x4000, s12, s11, $0x20;
	[tilespmem:$0x10100] =	vst v63  }
.LBB1_8:
0x3e: {  	_ =	sfence.sel $0x180000  }
0x3f: {  	s2 =	simm.s32 $0x1;
	[bflag:$0x0] =	sbarrier.arrive $0xFFFF  }
0x40: {  	s31 =	simm.s32 $0x2;
	[sflag:s2] =	ssyncpa.u1 $0x1  }
0x41: {  	[sflag:s31] =	ssyncpa.u1 $0x1  }
0x42: {  	p0 =	sne.s32 s0, $0x0;
	_ =	strace $0x9000004A  }
0x43: {  	s0 =	sadd.s32 @!p0 $0x100000, s1;
	[bflag:$0x2] =	sbarrier.arrive $0xFFFF  }
0x44: {  	[sflag:s0] =	ssyncadd.tile.s32 @!p0 $0x1;
	_ =	shalt  }
.Lfunc_end1:
_tile_overlayer_lowered:
.L_overlay_start_2:
0x45: {  	(tag) =	ssettag $0x2  }
0x46: {  	s0 =	rddreg [dreg:$0x0];
	s2 =	stileid.u32  }
0x47: {  	s1 =	rddreg [dreg:$0x1];
	p0 =	sne.s32 s2, $0x0  }
0x48: {  	s3 =	rddreg [dreg:$0x2];
	[bflag:$0x3] =	sbarrier.arrive $0xFFFF;
	s2 =	simm.s32 @!p0 $0x1C01  }
0x49: {  	[timem:s3], [sflag:s2] =	dma.local @!p0 [hbm:s0], s1  }
0x4a: {  	s0 =	simm.s32 @!p0 $0x1  }
0x4b: {  	_ =	swait.ge @!p0 [sflag:s0], s1  }
0x4c: {  	s1 =	ssub.s32 @!p0 $0x0, s1;
	[sflag:s0] =	ssyncset.done @!p0 $0x0  }
0x4d: {  	[sflag:s0] =	ssyncadd.s32 @!p0 s1  }
0x4e: {  	[bflag:$0x3] =	sbarrier.arrive $0xFFFF  }
0x4f: {  	_ =	shalt  }

</sc_bundles>
